<compile_context>
chip_gen: v7x
topology: tpu7x:2x2x1
jax: 0.10.2.dev20260603
libtpu: 0.0.44.dev20260713+nightly
codegen_flags: <defaults>
</compile_context>

<pallas_src>
import functools

import jax
import jax.numpy as jnp
from jax import lax
from jax.experimental import pallas as pl
from jax.experimental.pallas import tpu as pltpu
from jax.experimental.pallas import tpu_sc as plsc

N = 10000
D = 128
E = 320000
NC = 2
NS = 16
NW = NC * NS
EDGES_PER_W = E // NW
CHUNK = 80
NCHUNKS = EDGES_PER_W // CHUNK
N_PAD = 10240
ROWS_PER_TILE = N_PAD // NS


def _sc_layer(h, src3d, dst1d):
    mesh = plsc.VectorSubcoreMesh(core_axis_name="c", subcore_axis_name="s")

    @functools.partial(
        pl.kernel,
        out_type=jax.ShapeDtypeStruct((NC, N_PAD, D), jnp.float32),
        mesh=mesh,
        scratch_types=[
            pltpu.VMEM((NCHUNKS, CHUNK), jnp.int32),
            pltpu.VMEM((CHUNK,), jnp.int32),
            pltpu.VMEM((CHUNK,), jnp.int32),
            pltpu.VMEM((CHUNK,), jnp.int32),
            pltpu.VMEM((CHUNK, D), jnp.float32),
            pltpu.VMEM((CHUNK, D), jnp.float32),
            pltpu.VMEM((CHUNK, D), jnp.float32),
            pltpu.VMEM_SHARED((N_PAD, D), jnp.float32),
            pltpu.SemaphoreType.DMA,
            pltpu.SemaphoreType.DMA,
            pltpu.SemaphoreType.DMA,
            pltpu.SemaphoreType.DMA,
            pltpu.SemaphoreType.DMA,
            pltpu.SemaphoreType.DMA,
        ],
    )
    def layer_kernel(h_hbm, src_hbm, dst_hbm, out_hbm,
                     src_v, dst_a, dst_b, dst_c, rows_a, rows_b, rows_c,
                     acc_sh,
                     sem_a, sem_b, sem_c, sem_da, sem_db, sem_dc):
        dst_bufs = (dst_a, dst_b, dst_c)
        rows_bufs = (rows_a, rows_b, rows_c)
        gsems = (sem_a, sem_b, sem_c)
        dsems = (sem_da, sem_db, sem_dc)
        c = lax.axis_index("c")
        s = lax.axis_index("s")
        wid = s * NC + c
        ebase = wid * EDGES_PER_W

        pltpu.async_copy(src_hbm.at[wid], src_v, sem_a)

        @pl.loop(0, CHUNK)
        def _(r):
            @pl.loop(0, D, step=16)
            def _(j):
                rows_a.at[r, pl.ds(j, 16)][...] = jnp.zeros((16,), jnp.float32)

        row0 = s * ROWS_PER_TILE

        @pl.loop(0, ROWS_PER_TILE // CHUNK)
        def _(k):
            pltpu.sync_copy(rows_a, acc_sh.at[pl.ds(row0 + k * CHUNK, CHUNK)])

        pltpu.make_async_copy(src_hbm.at[wid], src_v, sem_a).wait()
        plsc.subcore_barrier()

        def start_dst(j, buf, sem):
            pltpu.async_copy(dst_hbm.at[pl.ds(ebase + j * CHUNK, CHUNK)],
                             buf, sem)

        def wait_dst(j, buf, sem):
            pltpu.make_async_copy(dst_hbm.at[pl.ds(ebase + j * CHUNK, CHUNK)],
                                  buf, sem).wait()

        def start_gather(j, buf, sem):
            pltpu.async_copy(h_hbm.at[src_v.at[j]], buf, sem)

        def wait_gather(j, buf, sem):
            pltpu.make_async_copy(h_hbm.at[src_v.at[j]], buf, sem).wait()

        def scatter_add(buf, dbuf):
            pltpu.sync_copy(buf, acc_sh.at[dbuf], add=True)

        start_dst(0, dst_a, sem_da)
        start_gather(0, rows_a, sem_a)
        start_dst(1, dst_b, sem_db)
        start_gather(1, rows_b, sem_b)

        def step(m, b, do_g2):
            if do_g2:
                start_dst(m + 2, dst_bufs[(b + 2) % 3], dsems[(b + 2) % 3])
                start_gather(m + 2, rows_bufs[(b + 2) % 3], gsems[(b + 2) % 3])
            wait_gather(m, rows_bufs[b], gsems[b])
            wait_dst(m, dst_bufs[b], dsems[b])
            scatter_add(rows_bufs[b], dst_bufs[b])

        LOOPED = (NCHUNKS - 2) // 3 * 3

        @pl.loop(0, LOOPED, step=3)
        def _(m):
            step(m, 0, True)
            step(m + 1, 1, True)
            step(m + 2, 2, True)

        for m in range(LOOPED, NCHUNKS):
            step(m, m % 3, m + 2 < NCHUNKS)

        plsc.subcore_barrier()

        pltpu.sync_copy(acc_sh.at[pl.ds(row0, ROWS_PER_TILE)],
                        out_hbm.at[c].at[pl.ds(row0, ROWS_PER_TILE)])

    return layer_kernel(h, src3d, dst1d)


def _sum_partials(p):
    def body(p_ref, o_ref):
        o_ref[...] = p_ref[0] + p_ref[1]

    return pl.pallas_call(
        body,
        out_shape=jax.ShapeDtypeStruct((N, D), jnp.float32),
        grid=(10,),
        in_specs=[pl.BlockSpec((NC, N // 10, D), lambda i: (0, i, 0))],
        out_specs=pl.BlockSpec((N // 10, D), lambda i: (i, 0)),
    )(p)


def _head(p, W1, b1, W2, b2):
    def body(p_ref, w1_ref, b1_ref, w2_ref, b2_ref, o_ref):
        h = p_ref[0] + p_ref[1]
        h = jnp.dot(h, w1_ref[...], preferred_element_type=jnp.float32)
        h = jnp.maximum(h + b1_ref[...], 0.0)
        o = jnp.sum(h * w2_ref[...], axis=1, keepdims=True)
        o_ref[...] = o + b2_ref[0]

    return pl.pallas_call(
        body,
        out_shape=jax.ShapeDtypeStruct((N, 1), jnp.float32),
        grid=(1,),
        in_specs=[
            pl.BlockSpec((NC, N, D), lambda i: (0, 0, 0)),
            pl.BlockSpec((D, D), lambda i: (0, 0)),
            pl.BlockSpec((1, D), lambda i: (0, 0)),
            pl.BlockSpec((1, D), lambda i: (0, 0)),
            pl.BlockSpec(memory_space=pltpu.SMEM),
        ],
        out_specs=pl.BlockSpec((N, 1), lambda i: (0, 0)),
    )(p, W1, b1.reshape(1, D), W2.reshape(1, D), b2)


def kernel(x, edge_index, W1, b1, W2, b2):
    src = edge_index[0].reshape(NW, NCHUNKS, CHUNK)
    dst = edge_index[1]
    p1 = _sc_layer(x, src, dst)
    h1 = _sum_partials(p1)
    p2 = _sc_layer(h1, src, dst)
    return _head(p2, W1, b1, W2, b2)

# --- scband reference (transcript-rebuilt; emitter-appended) ---
"""Pipeline reference for scband-mlmpnn-15556371546115 (READ-ONLY COPY).

The authoritative reference and input builder live on the scoring server;
editing this copy changes nothing except your own understanding.
"""

import jax, jax.numpy as jnp
import numpy as np

N = 10000
E = 320000
D = 128
OUT = 1
NUM_LAYERS = 2


def setup_inputs(seed: int = 0) -> dict:
    key = jax.random.key(seed)
    k1, k2, k3, k4 = jax.random.split(key, 4)
    x = jax.random.normal(k1, (N, D), dtype=jnp.float32)
    edge_index = jax.random.randint(k2, (2, E), 0, N)
    W1 = jax.random.normal(k3, (D, D), dtype=jnp.float32) * 0.05
    b1 = jnp.zeros((D,), dtype=jnp.float32)
    W2 = jax.random.normal(k4, (D, OUT), dtype=jnp.float32) * 0.05
    b2 = jnp.zeros((OUT,), dtype=jnp.float32)
    return {"x": x, "edge_index": edge_index, "W1": W1, "b1": b1, "W2": W2, "b2": b2}


def reference(x, edge_index, W1, b1, W2, b2):
    # Each MLMPNNConv with aggr='add' and message(x_j) = x_j reduces to a
    # scatter-add of source-node features onto destination nodes
    # (PyG source_to_target flow: edge_index[0]=src(j), edge_index[1]=dst(i)).
    src = edge_index[0]
    dst = edge_index[1]
    h = x
    for _ in range(NUM_LAYERS):
        h = jnp.zeros_like(h).at[dst].add(h[src])
    # MLMPNN head: relu(lin1(x)) then lin2
    h = jnp.maximum(h @ W1 + b1, 0.0)
    out = h @ W2 + b2
    return out

if __name__ == "__main__":
    import jax
    _d = setup_inputs()
    print(jax.jit(kernel)(*tuple(_d.values())))

</pallas_src>

<mosaic_0001>
#map = affine_map<(d0, d1) -> (0, 0)>
#map1 = affine_map<(d0, d1) -> (0, 0, 0)>
#map2 = affine_map<(d0, d1) -> (0)>
module attributes {stable_mosaic.version = 14 : i64} {
  func.func @layer_kernel(%arg0: i32, %arg1: i32, %arg2: memref<10000x128xf32, #tpu.memory_space<hbm>>, %arg3: memref<32x125x80xi32, #tpu.memory_space<hbm>>, %arg4: memref<320000xi32, #tpu.memory_space<hbm>>, %arg5: memref<2x10240x128xf32, #tpu.memory_space<hbm>>, %arg6: memref<125x80xi32, #tpu.memory_space<vmem>>, %arg7: memref<80xi32, #tpu.memory_space<vmem>>, %arg8: memref<80xi32, #tpu.memory_space<vmem>>, %arg9: memref<80xi32, #tpu.memory_space<vmem>>, %arg10: memref<80x128xf32, #tpu.memory_space<vmem>>, %arg11: memref<80x128xf32, #tpu.memory_space<vmem>>, %arg12: memref<80x128xf32, #tpu.memory_space<vmem>>, %arg13: memref<10240x128xf32, #tpu.memory_space<vmem_shared>>, %arg14: memref<!tpu.dma_semaphore, #tpu.memory_space<semaphore_mem>>, %arg15: memref<!tpu.dma_semaphore, #tpu.memory_space<semaphore_mem>>, %arg16: memref<!tpu.dma_semaphore, #tpu.memory_space<semaphore_mem>>, %arg17: memref<!tpu.dma_semaphore, #tpu.memory_space<semaphore_mem>>, %arg18: memref<!tpu.dma_semaphore, #tpu.memory_space<semaphore_mem>>, %arg19: memref<!tpu.dma_semaphore, #tpu.memory_space<semaphore_mem>>) attributes {dimension_semantics = [#tpu.dimension_semantics<core_parallel>, #tpu.dimension_semantics<subcore_parallel>], iteration_bounds = array<i64: 2, 16>, scalar_prefetch = 0 : i64, scratch_operands = 14 : i64, tpu.core_type = #tpu.core_type<sc_vector_subcore>, window_params = [{transform_indices = #map}, {transform_indices = #map1}, {transform_indices = #map2}, {transform_indices = #map1}]} {
    %mul3A = arith.constant 2 : i32
    %mul3A_0 = arith.muli %arg1, %mul3A : i32
    %add3A = arith.addi %mul3A_0, %arg0 : i32
    %mul3A_1 = arith.constant 10000 : i32
    %mul3A_2 = arith.muli %add3A, %mul3A_1 : i32
    %dma_start3A = arith.constant 0 : i32
    %dma_start3A_3 = arith.constant 0 : i32
    %dma_start3A_4 = tpu.memref_slice %arg3[%add3A, %dma_start3A, %dma_start3A_3] : memref<32x125x80xi32, #tpu.memory_space<hbm>> -> memref<1x125x80xi32, #tpu.memory_space<hbm>>
    %dma_start3A_5 = tpu.memref_squeeze %dma_start3A_4 : memref<1x125x80xi32, #tpu.memory_space<hbm>> -> memref<125x80xi32, #tpu.memory_space<hbm>>
    %dma_start3A_6 = arith.constant 0 : i32
    %dma_start3A_7 = arith.constant 0 : i32
    %dma_start3A_8 = tpu.memref_slice %arg3[%add3A, %dma_start3A_6, %dma_start3A_7] : memref<32x125x80xi32, #tpu.memory_space<hbm>> -> memref<1x125x80xi32, #tpu.memory_space<hbm>>
    %dma_start3A_9 = tpu.memref_squeeze %dma_start3A_8 : memref<1x125x80xi32, #tpu.memory_space<hbm>> -> memref<125x80xi32, #tpu.memory_space<hbm>>
    tpu.enqueue_dma source(%dma_start3A_9 : memref<125x80xi32, #tpu.memory_space<hbm>>) target(%arg6 : memref<125x80xi32, #tpu.memory_space<vmem>>) target_semaphore(%arg14 : memref<!tpu.dma_semaphore, #tpu.memory_space<semaphore_mem>>)
    %scan3A = arith.constant 0 : i32
    %scan3A_10 = arith.constant 80 : i32
    %scan3A_11 = arith.addi %scan3A, %scan3A_10 : i32
    %scan3A_12 = arith.constant 1 : i32
    scf.for %scan3A_78 = %scan3A to %scan3A_11 step %scan3A_12  : i32 {
      %mul3A_79 = arith.constant 1 : i32
      %mul3A_80 = arith.muli %scan3A_78, %mul3A_79 : i32
      %add3A_81 = arith.constant 0 : i32
      %add3A_82 = arith.addi %add3A_81, %mul3A_80 : i32
      %scan3A_83 = arith.constant 0 : i32
      %scan3A_84 = arith.constant 8 : i32
      %scan3A_85 = arith.addi %scan3A_83, %scan3A_84 : i32
      %scan3A_86 = arith.constant 1 : i32
      scf.for %scan3A_88 = %scan3A_83 to %scan3A_85 step %scan3A_86  : i32 {
        %mul3A_89 = arith.constant 16 : i32
        %mul3A_90 = arith.muli %scan3A_88, %mul3A_89 : i32
        %add3A_91 = arith.constant 0 : i32
        %add3A_92 = arith.addi %add3A_91, %mul3A_90 : i32
        %broadcast_in_dim3A = arith.constant 0.000000e+00 : f32
        %broadcast_in_dim3A_93 = vector.broadcast %broadcast_in_dim3A : f32 to vector<16xf32>
        %swap3A = arith.index_cast %add3A_82 : i32 to index
        %swap3A_94 = arith.index_cast %add3A_92 : i32 to index
        %swap3A_95 = tpu.vector_load %arg10[%swap3A, %swap3A_94] {strides = array<i32>} : memref<80x128xf32, #tpu.memory_space<vmem>>, vector<1x16xf32>,
        %swap3A_96 = vector.shape_cast %swap3A_95 : vector<1x16xf32> to vector<16xf32>
        %swap3A_97 = vector.shape_cast %broadcast_in_dim3A_93 : vector<16xf32> to vector<1x16xf32>
        tpu.vector_store %arg10[%swap3A, %swap3A_94], %swap3A_97 {strides = array<i32>} : memref<80x128xf32, #tpu.memory_space<vmem>>, vector<1x16xf32>,
      }
      %scan3A_87 = arith.constant 8 : i32
    }
    %scan3A_13 = arith.constant 80 : i32
    %mul3A_14 = arith.constant 640 : i32
    %mul3A_15 = arith.muli %arg1, %mul3A_14 : i32
    %scan3A_16 = arith.constant 0 : i32
    %scan3A_17 = arith.constant 8 : i32
    %scan3A_18 = arith.addi %scan3A_16, %scan3A_17 : i32
    %scan3A_19 = arith.constant 1 : i32
    scf.for %scan3A_78 = %scan3A_16 to %scan3A_18 step %scan3A_19  : i32 {
      %mul3A_79 = arith.constant 1 : i32
      %mul3A_80 = arith.muli %scan3A_78, %mul3A_79 : i32
      %add3A_81 = arith.constant 0 : i32
      %add3A_82 = arith.addi %add3A_81, %mul3A_80 : i32
      %mul3A_83 = arith.constant 80 : i32
      %mul3A_84 = arith.muli %add3A_82, %mul3A_83 : i32
      %add3A_85 = arith.addi %mul3A_15, %mul3A_84 : i32
      "tpu.region"() ({
        %run_scoped3A = tpu.sem_alloc : memref<!tpu.dma_semaphore, #tpu.memory_space<semaphore_mem>>
        %dma_start3A_86 = arith.constant 0 : i32
        %dma_start3A_87 = tpu.memref_slice %arg13[%add3A_85, %dma_start3A_86] : memref<10240x128xf32, #tpu.memory_space<vmem_shared>> -> memref<80x128xf32, #tpu.memory_space<vmem_shared>>
        %dma_start3A_88 = arith.constant 0 : i32
        %dma_start3A_89 = tpu.memref_slice %arg13[%add3A_85, %dma_start3A_88] : memref<10240x128xf32, #tpu.memory_space<vmem_shared>> -> memref<80x128xf32, #tpu.memory_space<vmem_shared>>
        tpu.enqueue_dma source(%arg10 : memref<80x128xf32, #tpu.memory_space<vmem>>) target(%dma_start3A_89 : memref<80x128xf32, #tpu.memory_space<vmem_shared>>) target_semaphore(%run_scoped3A : memref<!tpu.dma_semaphore, #tpu.memory_space<semaphore_mem>>)
        %dma_wait3A_90 = arith.constant 0 : i32
        %dma_wait3A_91 = tpu.memref_slice %arg13[%add3A_85, %dma_wait3A_90] : memref<10240x128xf32, #tpu.memory_space<vmem_shared>> -> memref<80x128xf32, #tpu.memory_space<vmem_shared>>
        %dma_wait3A_92 = arith.constant 0 : i32
        %dma_wait3A_93 = tpu.memref_slice %arg13[%add3A_85, %dma_wait3A_92] : memref<10240x128xf32, #tpu.memory_space<vmem_shared>> -> memref<80x128xf32, #tpu.memory_space<vmem_shared>>
        tpu.wait_dma2 semaphore(%run_scoped3A : memref<!tpu.dma_semaphore, #tpu.memory_space<semaphore_mem>>) src(%arg10 : memref<80x128xf32, #tpu.memory_space<vmem>>) dst(%dma_wait3A_93 : memref<80x128xf32, #tpu.memory_space<vmem_shared>>)
        tpu.yield
      }) : () -> ()
    }
    %scan3A_20 = arith.constant 8 : i32
    %dma_wait3A = arith.constant 0 : i32
    %dma_wait3A_21 = arith.constant 0 : i32
    %dma_wait3A_22 = tpu.memref_slice %arg3[%add3A, %dma_wait3A, %dma_wait3A_21] : memref<32x125x80xi32, #tpu.memory_space<hbm>> -> memref<1x125x80xi32, #tpu.memory_space<hbm>>
    %dma_wait3A_23 = tpu.memref_squeeze %dma_wait3A_22 : memref<1x125x80xi32, #tpu.memory_space<hbm>> -> memref<125x80xi32, #tpu.memory_space<hbm>>
    %dma_wait3A_24 = arith.constant 0 : i32
    %dma_wait3A_25 = arith.constant 0 : i32
    %dma_wait3A_26 = tpu.memref_slice %arg3[%add3A, %dma_wait3A_24, %dma_wait3A_25] : memref<32x125x80xi32, #tpu.memory_space<hbm>> -> memref<1x125x80xi32, #tpu.memory_space<hbm>>
    %dma_wait3A_27 = tpu.memref_squeeze %dma_wait3A_26 : memref<1x125x80xi32, #tpu.memory_space<hbm>> -> memref<125x80xi32, #tpu.memory_space<hbm>>
    tpu.wait_dma2 semaphore(%arg14 : memref<!tpu.dma_semaphore, #tpu.memory_space<semaphore_mem>>) src(%dma_wait3A_27 : memref<125x80xi32, #tpu.memory_space<hbm>>) dst(%arg6 : memref<125x80xi32, #tpu.memory_space<vmem>>)
    %barrier3A = arith.constant 0 : index
    tpu.barrier barrier_id(%barrier3A)
    %add3A_28 = arith.constant 0 : i32
    %add3A_29 = arith.addi %mul3A_2, %add3A_28 : i32
    %dma_start3A_30 = tpu.memref_slice %arg4[%add3A_29] : memref<320000xi32, #tpu.memory_space<hbm>> -> memref<80xi32, #tpu.memory_space<hbm>>
    %dma_start3A_31 = tpu.memref_slice %arg4[%add3A_29] : memref<320000xi32, #tpu.memory_space<hbm>> -> memref<80xi32, #tpu.memory_space<hbm>>
    tpu.enqueue_dma source(%dma_start3A_31 : memref<80xi32, #tpu.memory_space<hbm>>) target(%arg7 : memref<80xi32, #tpu.memory_space<vmem>>) target_semaphore(%arg17 : memref<!tpu.dma_semaphore, #tpu.memory_space<semaphore_mem>>)
    %dma_start3A_32 = arith.constant 0 : i32
    %dma_start3A_33 = arith.constant 0 : i32
    %dma_start3A_34 = tpu.memref_slice %arg6[%dma_start3A_32, %dma_start3A_33] : memref<125x80xi32, #tpu.memory_space<vmem>> -> memref<1x80xi32, #tpu.memory_space<vmem>>
    %dma_start3A_35 = tpu.memref_squeeze %dma_start3A_34 : memref<1x80xi32, #tpu.memory_space<vmem>> -> memref<80xi32, #tpu.memory_space<vmem>>
    %dma_start3A_36 = arith.constant 0 : i32
    %dma_start3A_37 = arith.constant 0 : i32
    %dma_start3A_38 = tpu.memref_slice %arg2[%dma_start3A_36, %dma_start3A_37] : memref<10000x128xf32, #tpu.memory_space<hbm>> -> memref<10000x128xf32, #tpu.memory_space<hbm>>
    tpu.enqueue_indirect_dma source(%dma_start3A_38 : memref<10000x128xf32, #tpu.memory_space<hbm>>) target(%arg10 : memref<80x128xf32, #tpu.memory_space<vmem>>) offsets(%dma_start3A_35 : memref<80xi32, #tpu.memory_space<vmem>>) semaphore(%arg14 : memref<!tpu.dma_semaphore, #tpu.memory_space<semaphore_mem>>)
    %add3A_39 = arith.constant 80 : i32
    %add3A_40 = arith.addi %mul3A_2, %add3A_39 : i32
    %dma_start3A_41 = tpu.memref_slice %arg4[%add3A_40] : memref<320000xi32, #tpu.memory_space<hbm>> -> memref<80xi32, #tpu.memory_space<hbm>>
    %dma_start3A_42 = tpu.memref_slice %arg4[%add3A_40] : memref<320000xi32, #tpu.memory_space<hbm>> -> memref<80xi32, #tpu.memory_space<hbm>>
    tpu.enqueue_dma source(%dma_start3A_42 : memref<80xi32, #tpu.memory_space<hbm>>) target(%arg8 : memref<80xi32, #tpu.memory_space<vmem>>) target_semaphore(%arg18 : memref<!tpu.dma_semaphore, #tpu.memory_space<semaphore_mem>>)
    %dma_start3A_43 = arith.constant 1 : i32
    %dma_start3A_44 = arith.constant 0 : i32
    %dma_start3A_45 = tpu.memref_slice %arg6[%dma_start3A_43, %dma_start3A_44] : memref<125x80xi32, #tpu.memory_space<vmem>> -> memref<1x80xi32, #tpu.memory_space<vmem>>
    %dma_start3A_46 = tpu.memref_squeeze %dma_start3A_45 : memref<1x80xi32, #tpu.memory_space<vmem>> -> memref<80xi32, #tpu.memory_space<vmem>>
    %dma_start3A_47 = arith.constant 0 : i32
    %dma_start3A_48 = arith.constant 0 : i32
    %dma_start3A_49 = tpu.memref_slice %arg2[%dma_start3A_47, %dma_start3A_48] : memref<10000x128xf32, #tpu.memory_space<hbm>> -> memref<10000x128xf32, #tpu.memory_space<hbm>>
    tpu.enqueue_indirect_dma source(%dma_start3A_49 : memref<10000x128xf32, #tpu.memory_space<hbm>>) target(%arg11 : memref<80x128xf32, #tpu.memory_space<vmem>>) offsets(%dma_start3A_46 : memref<80xi32, #tpu.memory_space<vmem>>) semaphore(%arg15 : memref<!tpu.dma_semaphore, #tpu.memory_space<semaphore_mem>>)
    %scan3A_50 = arith.constant 0 : i32
    %scan3A_51 = arith.constant 41 : i32
    %scan3A_52 = arith.addi %scan3A_50, %scan3A_51 : i32
    %scan3A_53 = arith.constant 1 : i32
    scf.for %scan3A_78 = %scan3A_50 to %scan3A_52 step %scan3A_53  : i32 {
      %mul3A_79 = arith.constant 3 : i32
      %mul3A_80 = arith.muli %scan3A_78, %mul3A_79 : i32
      %add3A_81 = arith.constant 0 : i32
      %add3A_82 = arith.addi %add3A_81, %mul3A_80 : i32
      %add3A_83 = arith.constant 2 : i32
      %add3A_84 = arith.addi %add3A_82, %add3A_83 : i32
      %mul3A_85 = arith.constant 80 : i32
      %mul3A_86 = arith.muli %add3A_84, %mul3A_85 : i32
      %add3A_87 = arith.addi %mul3A_2, %mul3A_86 : i32
      %dma_start3A_88 = tpu.memref_slice %arg4[%add3A_87] : memref<320000xi32, #tpu.memory_space<hbm>> -> memref<80xi32, #tpu.memory_space<hbm>>
      %dma_start3A_89 = tpu.memref_slice %arg4[%add3A_87] : memref<320000xi32, #tpu.memory_space<hbm>> -> memref<80xi32, #tpu.memory_space<hbm>>
      tpu.enqueue_dma source(%dma_start3A_89 : memref<80xi32, #tpu.memory_space<hbm>>) target(%arg9 : memref<80xi32, #tpu.memory_space<vmem>>) target_semaphore(%arg19 : memref<!tpu.dma_semaphore, #tpu.memory_space<semaphore_mem>>)
      %add3A_90 = arith.constant 2 : i32
      %add3A_91 = arith.addi %add3A_82, %add3A_90 : i32
      %dma_start3A_92 = arith.constant 0 : i32
      %dma_start3A_93 = tpu.memref_slice %arg6[%add3A_91, %dma_start3A_92] : memref<125x80xi32, #tpu.memory_space<vmem>> -> memref<1x80xi32, #tpu.memory_space<vmem>>
      %dma_start3A_94 = tpu.memref_squeeze %dma_start3A_93 : memref<1x80xi32, #tpu.memory_space<vmem>> -> memref<80xi32, #tpu.memory_space<vmem>>
      %dma_start3A_95 = arith.constant 0 : i32
      %dma_start3A_96 = arith.constant 0 : i32
      %dma_start3A_97 = tpu.memref_slice %arg2[%dma_start3A_95, %dma_start3A_96] : memref<10000x128xf32, #tpu.memory_space<hbm>> -> memref<10000x128xf32, #tpu.memory_space<hbm>>
      tpu.enqueue_indirect_dma source(%dma_start3A_97 : memref<10000x128xf32, #tpu.memory_space<hbm>>) target(%arg12 : memref<80x128xf32, #tpu.memory_space<vmem>>) offsets(%dma_start3A_94 : memref<80xi32, #tpu.memory_space<vmem>>) semaphore(%arg16 : memref<!tpu.dma_semaphore, #tpu.memory_space<semaphore_mem>>)
      %dma_wait3A_98 = arith.constant 0 : i32
      %dma_wait3A_99 = tpu.memref_slice %arg6[%add3A_82, %dma_wait3A_98] : memref<125x80xi32, #tpu.memory_space<vmem>> -> memref<1x80xi32, #tpu.memory_space<vmem>>
      %dma_wait3A_100 = tpu.memref_squeeze %dma_wait3A_99 : memref<1x80xi32, #tpu.memory_space<vmem>> -> memref<80xi32, #tpu.memory_space<vmem>>
      %dma_wait3A_101 = arith.constant 0 : i32
      %dma_wait3A_102 = arith.constant 0 : i32
      %dma_wait3A_103 = tpu.memref_slice %arg2[%dma_wait3A_101, %dma_wait3A_102] : memref<10000x128xf32, #tpu.memory_space<hbm>> -> memref<10000x128xf32, #tpu.memory_space<hbm>>
      tpu.wait_indirect_dma semaphore(%arg14 : memref<!tpu.dma_semaphore, #tpu.memory_space<semaphore_mem>>) src(%dma_wait3A_103 : memref<10000x128xf32, #tpu.memory_space<hbm>>) dst(%arg10 : memref<80x128xf32, #tpu.memory_space<vmem>>)
      %mul3A_104 = arith.constant 80 : i32
      %mul3A_105 = arith.muli %add3A_82, %mul3A_104 : i32
      %add3A_106 = arith.addi %mul3A_2, %mul3A_105 : i32
      %dma_wait3A_107 = tpu.memref_slice %arg4[%add3A_106] : memref<320000xi32, #tpu.memory_space<hbm>> -> memref<80xi32, #tpu.memory_space<hbm>>
      %dma_wait3A_108 = tpu.memref_slice %arg4[%add3A_106] : memref<320000xi32, #tpu.memory_space<hbm>> -> memref<80xi32, #tpu.memory_space<hbm>>
      tpu.wait_dma2 semaphore(%arg17 : memref<!tpu.dma_semaphore, #tpu.memory_space<semaphore_mem>>) src(%dma_wait3A_108 : memref<80xi32, #tpu.memory_space<hbm>>) dst(%arg7 : memref<80xi32, #tpu.memory_space<vmem>>)
      "tpu.region"() ({
        %run_scoped3A = tpu.sem_alloc : memref<!tpu.dma_semaphore, #tpu.memory_space<semaphore_mem>>
        %dma_start3A_165 = arith.constant 0 : i32
        %dma_start3A_166 = arith.constant 0 : i32
        %dma_start3A_167 = tpu.memref_slice %arg13[%dma_start3A_165, %dma_start3A_166] : memref<10240x128xf32, #tpu.memory_space<vmem_shared>> -> memref<10240x128xf32, #tpu.memory_space<vmem_shared>>
        tpu.enqueue_indirect_dma source(%arg10 : memref<80x128xf32, #tpu.memory_space<vmem>>) target(%dma_start3A_167 : memref<10240x128xf32, #tpu.memory_space<vmem_shared>>) offsets(%arg7 : memref<80xi32, #tpu.memory_space<vmem>>) semaphore(%run_scoped3A : memref<!tpu.dma_semaphore, #tpu.memory_space<semaphore_mem>>) {add = true}
        %dma_wait3A_168 = arith.constant 0 : i32
        %dma_wait3A_169 = arith.constant 0 : i32
        %dma_wait3A_170 = tpu.memref_slice %arg13[%dma_wait3A_168, %dma_wait3A_169] : memref<10240x128xf32, #tpu.memory_space<vmem_shared>> -> memref<10240x128xf32, #tpu.memory_space<vmem_shared>>
        tpu.wait_indirect_dma semaphore(%run_scoped3A : memref<!tpu.dma_semaphore, #tpu.memory_space<semaphore_mem>>) src(%arg10 : memref<80x128xf32, #tpu.memory_space<vmem>>) dst(%dma_wait3A_170 : memref<10240x128xf32, #tpu.memory_space<vmem_shared>>)
        tpu.yield
      }) : () -> ()
      %add3A_109 = arith.constant 1 : i32
      %add3A_110 = arith.addi %add3A_82, %add3A_109 : i32
      %add3A_111 = arith.constant 2 : i32
      %add3A_112 = arith.addi %add3A_110, %add3A_111 : i32
      %mul3A_113 = arith.constant 80 : i32
      %mul3A_114 = arith.muli %add3A_112, %mul3A_113 : i32
      %add3A_115 = arith.addi %mul3A_2, %mul3A_114 : i32
      %dma_start3A_116 = tpu.memref_slice %arg4[%add3A_115] : memref<320000xi32, #tpu.memory_space<hbm>> -> memref<80xi32, #tpu.memory_space<hbm>>
      %dma_start3A_117 = tpu.memref_slice %arg4[%add3A_115] : memref<320000xi32, #tpu.memory_space<hbm>> -> memref<80xi32, #tpu.memory_space<hbm>>
      tpu.enqueue_dma source(%dma_start3A_117 : memref<80xi32, #tpu.memory_space<hbm>>) target(%arg7 : memref<80xi32, #tpu.memory_space<vmem>>) target_semaphore(%arg17 : memref<!tpu.dma_semaphore, #tpu.memory_space<semaphore_mem>>)
      %add3A_118 = arith.constant 2 : i32
      %add3A_119 = arith.addi %add3A_110, %add3A_118 : i32
      %dma_start3A_120 = arith.constant 0 : i32
      %dma_start3A_121 = tpu.memref_slice %arg6[%add3A_119, %dma_start3A_120] : memref<125x80xi32, #tpu.memory_space<vmem>> -> memref<1x80xi32, #tpu.memory_space<vmem>>
      %dma_start3A_122 = tpu.memref_squeeze %dma_start3A_121 : memref<1x80xi32, #tpu.memory_space<vmem>> -> memref<80xi32, #tpu.memory_space<vmem>>
      %dma_start3A_123 = arith.constant 0 : i32
      %dma_start3A_124 = arith.constant 0 : i32
      %dma_start3A_125 = tpu.memref_slice %arg2[%dma_start3A_123, %dma_start3A_124] : memref<10000x128xf32, #tpu.memory_space<hbm>> -> memref<10000x128xf32, #tpu.memory_space<hbm>>
      tpu.enqueue_indirect_dma source(%dma_start3A_125 : memref<10000x128xf32, #tpu.memory_space<hbm>>) target(%arg10 : memref<80x128xf32, #tpu.memory_space<vmem>>) offsets(%dma_start3A_122 : memref<80xi32, #tpu.memory_space<vmem>>) semaphore(%arg14 : memref<!tpu.dma_semaphore, #tpu.memory_space<semaphore_mem>>)
      %dma_wait3A_126 = arith.constant 0 : i32
      %dma_wait3A_127 = tpu.memref_slice %arg6[%add3A_110, %dma_wait3A_126] : memref<125x80xi32, #tpu.memory_space<vmem>> -> memref<1x80xi32, #tpu.memory_space<vmem>>
      %dma_wait3A_128 = tpu.memref_squeeze %dma_wait3A_127 : memref<1x80xi32, #tpu.memory_space<vmem>> -> memref<80xi32, #tpu.memory_space<vmem>>
      %dma_wait3A_129 = arith.constant 0 : i32
      %dma_wait3A_130 = arith.constant 0 : i32
      %dma_wait3A_131 = tpu.memref_slice %arg2[%dma_wait3A_129, %dma_wait3A_130] : memref<10000x128xf32, #tpu.memory_space<hbm>> -> memref<10000x128xf32, #tpu.memory_space<hbm>>
      tpu.wait_indirect_dma semaphore(%arg15 : memref<!tpu.dma_semaphore, #tpu.memory_space<semaphore_mem>>) src(%dma_wait3A_131 : memref<10000x128xf32, #tpu.memory_space<hbm>>) dst(%arg11 : memref<80x128xf32, #tpu.memory_space<vmem>>)
      %mul3A_132 = arith.constant 80 : i32
      %mul3A_133 = arith.muli %add3A_110, %mul3A_132 : i32
      %add3A_134 = arith.addi %mul3A_2, %mul3A_133 : i32
      %dma_wait3A_135 = tpu.memref_slice %arg4[%add3A_134] : memref<320000xi32, #tpu.memory_space<hbm>> -> memref<80xi32, #tpu.memory_space<hbm>>
      %dma_wait3A_136 = tpu.memref_slice %arg4[%add3A_134] : memref<320000xi32, #tpu.memory_space<hbm>> -> memref<80xi32, #tpu.memory_space<hbm>>
      tpu.wait_dma2 semaphore(%arg18 : memref<!tpu.dma_semaphore, #tpu.memory_space<semaphore_mem>>) src(%dma_wait3A_136 : memref<80xi32, #tpu.memory_space<hbm>>) dst(%arg8 : memref<80xi32, #tpu.memory_space<vmem>>)
      "tpu.region"() ({
        %run_scoped3A = tpu.sem_alloc : memref<!tpu.dma_semaphore, #tpu.memory_space<semaphore_mem>>
        %dma_start3A_165 = arith.constant 0 : i32
        %dma_start3A_166 = arith.constant 0 : i32
        %dma_start3A_167 = tpu.memref_slice %arg13[%dma_start3A_165, %dma_start3A_166] : memref<10240x128xf32, #tpu.memory_space<vmem_shared>> -> memref<10240x128xf32, #tpu.memory_space<vmem_shared>>
        tpu.enqueue_indirect_dma source(%arg11 : memref<80x128xf32, #tpu.memory_space<vmem>>) target(%dma_start3A_167 : memref<10240x128xf32, #tpu.memory_space<vmem_shared>>) offsets(%arg8 : memref<80xi32, #tpu.memory_space<vmem>>) semaphore(%run_scoped3A : memref<!tpu.dma_semaphore, #tpu.memory_space<semaphore_mem>>) {add = true}
        %dma_wait3A_168 = arith.constant 0 : i32
        %dma_wait3A_169 = arith.constant 0 : i32
        %dma_wait3A_170 = tpu.memref_slice %arg13[%dma_wait3A_168, %dma_wait3A_169] : memref<10240x128xf32, #tpu.memory_space<vmem_shared>> -> memref<10240x128xf32, #tpu.memory_space<vmem_shared>>
        tpu.wait_indirect_dma semaphore(%run_scoped3A : memref<!tpu.dma_semaphore, #tpu.memory_space<semaphore_mem>>) src(%arg11 : memref<80x128xf32, #tpu.memory_space<vmem>>) dst(%dma_wait3A_170 : memref<10240x128xf32, #tpu.memory_space<vmem_shared>>)
        tpu.yield
      }) : () -> ()
      %add3A_137 = arith.constant 2 : i32
      %add3A_138 = arith.addi %add3A_82, %add3A_137 : i32
      %add3A_139 = arith.constant 2 : i32
      %add3A_140 = arith.addi %add3A_138, %add3A_139 : i32
      %mul3A_141 = arith.constant 80 : i32
      %mul3A_142 = arith.muli %add3A_140, %mul3A_141 : i32
      %add3A_143 = arith.addi %mul3A_2, %mul3A_142 : i32
      %dma_start3A_144 = tpu.memref_slice %arg4[%add3A_143] : memref<320000xi32, #tpu.memory_space<hbm>> -> memref<80xi32, #tpu.memory_space<hbm>>
      %dma_start3A_145 = tpu.memref_slice %arg4[%add3A_143] : memref<320000xi32, #tpu.memory_space<hbm>> -> memref<80xi32, #tpu.memory_space<hbm>>
      tpu.enqueue_dma source(%dma_start3A_145 : memref<80xi32, #tpu.memory_space<hbm>>) target(%arg8 : memref<80xi32, #tpu.memory_space<vmem>>) target_semaphore(%arg18 : memref<!tpu.dma_semaphore, #tpu.memory_space<semaphore_mem>>)
      %add3A_146 = arith.constant 2 : i32
      %add3A_147 = arith.addi %add3A_138, %add3A_146 : i32
      %dma_start3A_148 = arith.constant 0 : i32
      %dma_start3A_149 = tpu.memref_slice %arg6[%add3A_147, %dma_start3A_148] : memref<125x80xi32, #tpu.memory_space<vmem>> -> memref<1x80xi32, #tpu.memory_space<vmem>>
      %dma_start3A_150 = tpu.memref_squeeze %dma_start3A_149 : memref<1x80xi32, #tpu.memory_space<vmem>> -> memref<80xi32, #tpu.memory_space<vmem>>
      %dma_start3A_151 = arith.constant 0 : i32
      %dma_start3A_152 = arith.constant 0 : i32
      %dma_start3A_153 = tpu.memref_slice %arg2[%dma_start3A_151, %dma_start3A_152] : memref<10000x128xf32, #tpu.memory_space<hbm>> -> memref<10000x128xf32, #tpu.memory_space<hbm>>
      tpu.enqueue_indirect_dma source(%dma_start3A_153 : memref<10000x128xf32, #tpu.memory_space<hbm>>) target(%arg11 : memref<80x128xf32, #tpu.memory_space<vmem>>) offsets(%dma_start3A_150 : memref<80xi32, #tpu.memory_space<vmem>>) semaphore(%arg15 : memref<!tpu.dma_semaphore, #tpu.memory_space<semaphore_mem>>)
      %dma_wait3A_154 = arith.constant 0 : i32
      %dma_wait3A_155 = tpu.memref_slice %arg6[%add3A_138, %dma_wait3A_154] : memref<125x80xi32, #tpu.memory_space<vmem>> -> memref<1x80xi32, #tpu.memory_space<vmem>>
      %dma_wait3A_156 = tpu.memref_squeeze %dma_wait3A_155 : memref<1x80xi32, #tpu.memory_space<vmem>> -> memref<80xi32, #tpu.memory_space<vmem>>
      %dma_wait3A_157 = arith.constant 0 : i32
      %dma_wait3A_158 = arith.constant 0 : i32
      %dma_wait3A_159 = tpu.memref_slice %arg2[%dma_wait3A_157, %dma_wait3A_158] : memref<10000x128xf32, #tpu.memory_space<hbm>> -> memref<10000x128xf32, #tpu.memory_space<hbm>>
      tpu.wait_indirect_dma semaphore(%arg16 : memref<!tpu.dma_semaphore, #tpu.memory_space<semaphore_mem>>) src(%dma_wait3A_159 : memref<10000x128xf32, #tpu.memory_space<hbm>>) dst(%arg12 : memref<80x128xf32, #tpu.memory_space<vmem>>)
      %mul3A_160 = arith.constant 80 : i32
      %mul3A_161 = arith.muli %add3A_138, %mul3A_160 : i32
      %add3A_162 = arith.addi %mul3A_2, %mul3A_161 : i32
      %dma_wait3A_163 = tpu.memref_slice %arg4[%add3A_162] : memref<320000xi32, #tpu.memory_space<hbm>> -> memref<80xi32, #tpu.memory_space<hbm>>
      %dma_wait3A_164 = tpu.memref_slice %arg4[%add3A_162] : memref<320000xi32, #tpu.memory_space<hbm>> -> memref<80xi32, #tpu.memory_space<hbm>>
      tpu.wait_dma2 semaphore(%arg19 : memref<!tpu.dma_semaphore, #tpu.memory_space<semaphore_mem>>) src(%dma_wait3A_164 : memref<80xi32, #tpu.memory_space<hbm>>) dst(%arg9 : memref<80xi32, #tpu.memory_space<vmem>>)
      "tpu.region"() ({
        %run_scoped3A = tpu.sem_alloc : memref<!tpu.dma_semaphore, #tpu.memory_space<semaphore_mem>>
        %dma_start3A_165 = arith.constant 0 : i32
        %dma_start3A_166 = arith.constant 0 : i32
        %dma_start3A_167 = tpu.memref_slice %arg13[%dma_start3A_165, %dma_start3A_166] : memref<10240x128xf32, #tpu.memory_space<vmem_shared>> -> memref<10240x128xf32, #tpu.memory_space<vmem_shared>>
        tpu.enqueue_indirect_dma source(%arg12 : memref<80x128xf32, #tpu.memory_space<vmem>>) target(%dma_start3A_167 : memref<10240x128xf32, #tpu.memory_space<vmem_shared>>) offsets(%arg9 : memref<80xi32, #tpu.memory_space<vmem>>) semaphore(%run_scoped3A : memref<!tpu.dma_semaphore, #tpu.memory_space<semaphore_mem>>) {add = true}
        %dma_wait3A_168 = arith.constant 0 : i32
        %dma_wait3A_169 = arith.constant 0 : i32
        %dma_wait3A_170 = tpu.memref_slice %arg13[%dma_wait3A_168, %dma_wait3A_169] : memref<10240x128xf32, #tpu.memory_space<vmem_shared>> -> memref<10240x128xf32, #tpu.memory_space<vmem_shared>>
        tpu.wait_indirect_dma semaphore(%run_scoped3A : memref<!tpu.dma_semaphore, #tpu.memory_space<semaphore_mem>>) src(%arg12 : memref<80x128xf32, #tpu.memory_space<vmem>>) dst(%dma_wait3A_170 : memref<10240x128xf32, #tpu.memory_space<vmem_shared>>)
        tpu.yield
      }) : () -> ()
    }
    %scan3A_54 = arith.constant 41 : i32
    %dma_wait3A_55 = arith.constant 123 : i32
    %dma_wait3A_56 = arith.constant 0 : i32
    %dma_wait3A_57 = tpu.memref_slice %arg6[%dma_wait3A_55, %dma_wait3A_56] : memref<125x80xi32, #tpu.memory_space<vmem>> -> memref<1x80xi32, #tpu.memory_space<vmem>>
    %dma_wait3A_58 = tpu.memref_squeeze %dma_wait3A_57 : memref<1x80xi32, #tpu.memory_space<vmem>> -> memref<80xi32, #tpu.memory_space<vmem>>
    %dma_wait3A_59 = arith.constant 0 : i32
    %dma_wait3A_60 = arith.constant 0 : i32
    %dma_wait3A_61 = tpu.memref_slice %arg2[%dma_wait3A_59, %dma_wait3A_60] : memref<10000x128xf32, #tpu.memory_space<hbm>> -> memref<10000x128xf32, #tpu.memory_space<hbm>>
    tpu.wait_indirect_dma semaphore(%arg14 : memref<!tpu.dma_semaphore, #tpu.memory_space<semaphore_mem>>) src(%dma_wait3A_61 : memref<10000x128xf32, #tpu.memory_space<hbm>>) dst(%arg10 : memref<80x128xf32, #tpu.memory_space<vmem>>)
    %add3A_62 = arith.constant 9840 : i32
    %add3A_63 = arith.addi %mul3A_2, %add3A_62 : i32
    %dma_wait3A_64 = tpu.memref_slice %arg4[%add3A_63] : memref<320000xi32, #tpu.memory_space<hbm>> -> memref<80xi32, #tpu.memory_space<hbm>>
    %dma_wait3A_65 = tpu.memref_slice %arg4[%add3A_63] : memref<320000xi32, #tpu.memory_space<hbm>> -> memref<80xi32, #tpu.memory_space<hbm>>
    tpu.wait_dma2 semaphore(%arg17 : memref<!tpu.dma_semaphore, #tpu.memory_space<semaphore_mem>>) src(%dma_wait3A_65 : memref<80xi32, #tpu.memory_space<hbm>>) dst(%arg7 : memref<80xi32, #tpu.memory_space<vmem>>)
    "tpu.region"() ({
      %run_scoped3A = tpu.sem_alloc : memref<!tpu.dma_semaphore, #tpu.memory_space<semaphore_mem>>
      %dma_start3A_78 = arith.constant 0 : i32
      %dma_start3A_79 = arith.constant 0 : i32
      %dma_start3A_80 = tpu.memref_slice %arg13[%dma_start3A_78, %dma_start3A_79] : memref<10240x128xf32, #tpu.memory_space<vmem_shared>> -> memref<10240x128xf32, #tpu.memory_space<vmem_shared>>
      tpu.enqueue_indirect_dma source(%arg10 : memref<80x128xf32, #tpu.memory_space<vmem>>) target(%dma_start3A_80 : memref<10240x128xf32, #tpu.memory_space<vmem_shared>>) offsets(%arg7 : memref<80xi32, #tpu.memory_space<vmem>>) semaphore(%run_scoped3A : memref<!tpu.dma_semaphore, #tpu.memory_space<semaphore_mem>>) {add = true}
      %dma_wait3A_81 = arith.constant 0 : i32
      %dma_wait3A_82 = arith.constant 0 : i32
      %dma_wait3A_83 = tpu.memref_slice %arg13[%dma_wait3A_81, %dma_wait3A_82] : memref<10240x128xf32, #tpu.memory_space<vmem_shared>> -> memref<10240x128xf32, #tpu.memory_space<vmem_shared>>
      tpu.wait_indirect_dma semaphore(%run_scoped3A : memref<!tpu.dma_semaphore, #tpu.memory_space<semaphore_mem>>) src(%arg10 : memref<80x128xf32, #tpu.memory_space<vmem>>) dst(%dma_wait3A_83 : memref<10240x128xf32, #tpu.memory_space<vmem_shared>>)
      tpu.yield
    }) : () -> ()
    %dma_wait3A_66 = arith.constant 124 : i32
    %dma_wait3A_67 = arith.constant 0 : i32
    %dma_wait3A_68 = tpu.memref_slice %arg6[%dma_wait3A_66, %dma_wait3A_67] : memref<125x80xi32, #tpu.memory_space<vmem>> -> memref<1x80xi32, #tpu.memory_space<vmem>>
    %dma_wait3A_69 = tpu.memref_squeeze %dma_wait3A_68 : memref<1x80xi32, #tpu.memory_space<vmem>> -> memref<80xi32, #tpu.memory_space<vmem>>
    %dma_wait3A_70 = arith.constant 0 : i32
    %dma_wait3A_71 = arith.constant 0 : i32
    %dma_wait3A_72 = tpu.memref_slice %arg2[%dma_wait3A_70, %dma_wait3A_71] : memref<10000x128xf32, #tpu.memory_space<hbm>> -> memref<10000x128xf32, #tpu.memory_space<hbm>>
    tpu.wait_indirect_dma semaphore(%arg15 : memref<!tpu.dma_semaphore, #tpu.memory_space<semaphore_mem>>) src(%dma_wait3A_72 : memref<10000x128xf32, #tpu.memory_space<hbm>>) dst(%arg11 : memref<80x128xf32, #tpu.memory_space<vmem>>)
    %add3A_73 = arith.constant 9920 : i32
    %add3A_74 = arith.addi %mul3A_2, %add3A_73 : i32
    %dma_wait3A_75 = tpu.memref_slice %arg4[%add3A_74] : memref<320000xi32, #tpu.memory_space<hbm>> -> memref<80xi32, #tpu.memory_space<hbm>>
    %dma_wait3A_76 = tpu.memref_slice %arg4[%add3A_74] : memref<320000xi32, #tpu.memory_space<hbm>> -> memref<80xi32, #tpu.memory_space<hbm>>
    tpu.wait_dma2 semaphore(%arg18 : memref<!tpu.dma_semaphore, #tpu.memory_space<semaphore_mem>>) src(%dma_wait3A_76 : memref<80xi32, #tpu.memory_space<hbm>>) dst(%arg8 : memref<80xi32, #tpu.memory_space<vmem>>)
    "tpu.region"() ({
      %run_scoped3A = tpu.sem_alloc : memref<!tpu.dma_semaphore, #tpu.memory_space<semaphore_mem>>
      %dma_start3A_78 = arith.constant 0 : i32
      %dma_start3A_79 = arith.constant 0 : i32
      %dma_start3A_80 = tpu.memref_slice %arg13[%dma_start3A_78, %dma_start3A_79] : memref<10240x128xf32, #tpu.memory_space<vmem_shared>> -> memref<10240x128xf32, #tpu.memory_space<vmem_shared>>
      tpu.enqueue_indirect_dma source(%arg11 : memref<80x128xf32, #tpu.memory_space<vmem>>) target(%dma_start3A_80 : memref<10240x128xf32, #tpu.memory_space<vmem_shared>>) offsets(%arg8 : memref<80xi32, #tpu.memory_space<vmem>>) semaphore(%run_scoped3A : memref<!tpu.dma_semaphore, #tpu.memory_space<semaphore_mem>>) {add = true}
      %dma_wait3A_81 = arith.constant 0 : i32
      %dma_wait3A_82 = arith.constant 0 : i32
      %dma_wait3A_83 = tpu.memref_slice %arg13[%dma_wait3A_81, %dma_wait3A_82] : memref<10240x128xf32, #tpu.memory_space<vmem_shared>> -> memref<10240x128xf32, #tpu.memory_space<vmem_shared>>
      tpu.wait_indirect_dma semaphore(%run_scoped3A : memref<!tpu.dma_semaphore, #tpu.memory_space<semaphore_mem>>) src(%arg11 : memref<80x128xf32, #tpu.memory_space<vmem>>) dst(%dma_wait3A_83 : memref<10240x128xf32, #tpu.memory_space<vmem_shared>>)
      tpu.yield
    }) : () -> ()
    %barrier3A_77 = arith.constant 0 : index
    tpu.barrier barrier_id(%barrier3A_77)
    "tpu.region"() ({
      %run_scoped3A = tpu.sem_alloc : memref<!tpu.dma_semaphore, #tpu.memory_space<semaphore_mem>>
      %dma_start3A_78 = arith.constant 0 : i32
      %dma_start3A_79 = arith.constant 0 : i32
      %dma_start3A_80 = tpu.memref_slice %arg5[%arg0, %dma_start3A_78, %dma_start3A_79] : memref<2x10240x128xf32, #tpu.memory_space<hbm>> -> memref<1x10240x128xf32, #tpu.memory_space<hbm>>
      %dma_start3A_81 = tpu.memref_squeeze %dma_start3A_80 : memref<1x10240x128xf32, #tpu.memory_space<hbm>> -> memref<10240x128xf32, #tpu.memory_space<hbm>>
      %dma_start3A_82 = arith.constant 0 : i32
      %dma_start3A_83 = tpu.memref_slice %dma_start3A_81[%mul3A_15, %dma_start3A_82] : memref<10240x128xf32, #tpu.memory_space<hbm>> -> memref<640x128xf32, #tpu.memory_space<hbm>>
      %dma_start3A_84 = arith.constant 0 : i32
      %dma_start3A_85 = tpu.memref_slice %arg13[%mul3A_15, %dma_start3A_84] : memref<10240x128xf32, #tpu.memory_space<vmem_shared>> -> memref<640x128xf32, #tpu.memory_space<vmem_shared>>
      tpu.enqueue_dma source(%dma_start3A_85 : memref<640x128xf32, #tpu.memory_space<vmem_shared>>) target(%dma_start3A_83 : memref<640x128xf32, #tpu.memory_space<hbm>>) target_semaphore(%run_scoped3A : memref<!tpu.dma_semaphore, #tpu.memory_space<semaphore_mem>>)
      %dma_wait3A_86 = arith.constant 0 : i32
      %dma_wait3A_87 = arith.constant 0 : i32
      %dma_wait3A_88 = tpu.memref_slice %arg5[%arg0, %dma_wait3A_86, %dma_wait3A_87] : memref<2x10240x128xf32, #tpu.memory_space<hbm>> -> memref<1x10240x128xf32, #tpu.memory_space<hbm>>
      %dma_wait3A_89 = tpu.memref_squeeze %dma_wait3A_88 : memref<1x10240x128xf32, #tpu.memory_space<hbm>> -> memref<10240x128xf32, #tpu.memory_space<hbm>>
      %dma_wait3A_90 = arith.constant 0 : i32
      %dma_wait3A_91 = tpu.memref_slice %dma_wait3A_89[%mul3A_15, %dma_wait3A_90] : memref<10240x128xf32, #tpu.memory_space<hbm>> -> memref<640x128xf32, #tpu.memory_space<hbm>>
      %dma_wait3A_92 = arith.constant 0 : i32
      %dma_wait3A_93 = tpu.memref_slice %arg13[%mul3A_15, %dma_wait3A_92] : memref<10240x128xf32, #tpu.memory_space<vmem_shared>> -> memref<640x128xf32, #tpu.memory_space<vmem_shared>>
      tpu.wait_dma2 semaphore(%run_scoped3A : memref<!tpu.dma_semaphore, #tpu.memory_space<semaphore_mem>>) src(%dma_wait3A_93 : memref<640x128xf32, #tpu.memory_space<vmem_shared>>) dst(%dma_wait3A_91 : memref<640x128xf32, #tpu.memory_space<hbm>>)
      tpu.yield
    }) : () -> ()
    return
  }
}

#map = affine_map<(d0, d1) -> (0, 0)>
#map1 = affine_map<(d0, d1) -> (0, 0, 0)>
#map2 = affine_map<(d0, d1) -> (0)>
module attributes {stable_mosaic.version = 14 : i64} {
  func.func @layer_kernel(%arg0: i32, %arg1: i32, %arg2: memref<10000x128xf32, #tpu.memory_space<hbm>>, %arg3: memref<32x125x80xi32, #tpu.memory_space<hbm>>, %arg4: memref<320000xi32, #tpu.memory_space<hbm>>, %arg5: memref<2x10240x128xf32, #tpu.memory_space<hbm>>, %arg6: memref<125x80xi32, #tpu.memory_space<vmem>>, %arg7: memref<80xi32, #tpu.memory_space<vmem>>, %arg8: memref<80xi32, #tpu.memory_space<vmem>>, %arg9: memref<80xi32, #tpu.memory_space<vmem>>, %arg10: memref<80x128xf32, #tpu.memory_space<vmem>>, %arg11: memref<80x128xf32, #tpu.memory_space<vmem>>, %arg12: memref<80x128xf32, #tpu.memory_space<vmem>>, %arg13: memref<10240x128xf32, #tpu.memory_space<vmem_shared>>, %arg14: memref<!tpu.dma_semaphore, #tpu.memory_space<semaphore_mem>>, %arg15: memref<!tpu.dma_semaphore, #tpu.memory_space<semaphore_mem>>, %arg16: memref<!tpu.dma_semaphore, #tpu.memory_space<semaphore_mem>>, %arg17: memref<!tpu.dma_semaphore, #tpu.memory_space<semaphore_mem>>, %arg18: memref<!tpu.dma_semaphore, #tpu.memory_space<semaphore_mem>>, %arg19: memref<!tpu.dma_semaphore, #tpu.memory_space<semaphore_mem>>) attributes {dimension_semantics = [#tpu.dimension_semantics<core_parallel>, #tpu.dimension_semantics<subcore_parallel>], iteration_bounds = array<i64: 2, 16>, scalar_prefetch = 0 : i64, scratch_operands = 14 : i64, tpu.core_type = #tpu.core_type<sc_vector_subcore>, window_params = [{transform_indices = #map}, {transform_indices = #map1}, {transform_indices = #map2}, {transform_indices = #map1}]} {
    %mul3A = arith.constant 2 : i32
    %mul3A_0 = arith.muli %arg1, %mul3A : i32
    %add3A = arith.addi %mul3A_0, %arg0 : i32
    %mul3A_1 = arith.constant 10000 : i32
    %mul3A_2 = arith.muli %add3A, %mul3A_1 : i32
    %dma_start3A = arith.constant 0 : i32
    %dma_start3A_3 = arith.constant 0 : i32
    %dma_start3A_4 = tpu.memref_slice %arg3[%add3A, %dma_start3A, %dma_start3A_3] : memref<32x125x80xi32, #tpu.memory_space<hbm>> -> memref<1x125x80xi32, #tpu.memory_space<hbm>>
    %dma_start3A_5 = tpu.memref_squeeze %dma_start3A_4 : memref<1x125x80xi32, #tpu.memory_space<hbm>> -> memref<125x80xi32, #tpu.memory_space<hbm>>
    %dma_start3A_6 = arith.constant 0 : i32
    %dma_start3A_7 = arith.constant 0 : i32
    %dma_start3A_8 = tpu.memref_slice %arg3[%add3A, %dma_start3A_6, %dma_start3A_7] : memref<32x125x80xi32, #tpu.memory_space<hbm>> -> memref<1x125x80xi32, #tpu.memory_space<hbm>>
    %dma_start3A_9 = tpu.memref_squeeze %dma_start3A_8 : memref<1x125x80xi32, #tpu.memory_space<hbm>> -> memref<125x80xi32, #tpu.memory_space<hbm>>
    tpu.enqueue_dma source(%dma_start3A_9 : memref<125x80xi32, #tpu.memory_space<hbm>>) target(%arg6 : memref<125x80xi32, #tpu.memory_space<vmem>>) target_semaphore(%arg14 : memref<!tpu.dma_semaphore, #tpu.memory_space<semaphore_mem>>)
    %scan3A = arith.constant 0 : i32
    %scan3A_10 = arith.constant 80 : i32
    %scan3A_11 = arith.addi %scan3A, %scan3A_10 : i32
    %scan3A_12 = arith.constant 1 : i32
    scf.for %scan3A_78 = %scan3A to %scan3A_11 step %scan3A_12  : i32 {
      %mul3A_79 = arith.constant 1 : i32
      %mul3A_80 = arith.muli %scan3A_78, %mul3A_79 : i32
      %add3A_81 = arith.constant 0 : i32
      %add3A_82 = arith.addi %add3A_81, %mul3A_80 : i32
      %scan3A_83 = arith.constant 0 : i32
      %scan3A_84 = arith.constant 8 : i32
      %scan3A_85 = arith.addi %scan3A_83, %scan3A_84 : i32
      %scan3A_86 = arith.constant 1 : i32
      scf.for %scan3A_88 = %scan3A_83 to %scan3A_85 step %scan3A_86  : i32 {
        %mul3A_89 = arith.constant 16 : i32
        %mul3A_90 = arith.muli %scan3A_88, %mul3A_89 : i32
        %add3A_91 = arith.constant 0 : i32
        %add3A_92 = arith.addi %add3A_91, %mul3A_90 : i32
        %broadcast_in_dim3A = arith.constant 0.000000e+00 : f32
        %broadcast_in_dim3A_93 = vector.broadcast %broadcast_in_dim3A : f32 to vector<16xf32>
        %swap3A = arith.index_cast %add3A_82 : i32 to index
        %swap3A_94 = arith.index_cast %add3A_92 : i32 to index
        %swap3A_95 = tpu.vector_load %arg10[%swap3A, %swap3A_94] {strides = array<i32>} : memref<80x128xf32, #tpu.memory_space<vmem>>, vector<1x16xf32>,
        %swap3A_96 = vector.shape_cast %swap3A_95 : vector<1x16xf32> to vector<16xf32>
        %swap3A_97 = vector.shape_cast %broadcast_in_dim3A_93 : vector<16xf32> to vector<1x16xf32>
        tpu.vector_store %arg10[%swap3A, %swap3A_94], %swap3A_97 {strides = array<i32>} : memref<80x128xf32, #tpu.memory_space<vmem>>, vector<1x16xf32>,
      }
      %scan3A_87 = arith.constant 8 : i32
    }
    %scan3A_13 = arith.constant 80 : i32
    %mul3A_14 = arith.constant 640 : i32
    %mul3A_15 = arith.muli %arg1, %mul3A_14 : i32
    %scan3A_16 = arith.constant 0 : i32
    %scan3A_17 = arith.constant 8 : i32
    %scan3A_18 = arith.addi %scan3A_16, %scan3A_17 : i32
    %scan3A_19 = arith.constant 1 : i32
    scf.for %scan3A_78 = %scan3A_16 to %scan3A_18 step %scan3A_19  : i32 {
      %mul3A_79 = arith.constant 1 : i32
      %mul3A_80 = arith.muli %scan3A_78, %mul3A_79 : i32
      %add3A_81 = arith.constant 0 : i32
      %add3A_82 = arith.addi %add3A_81, %mul3A_80 : i32
      %mul3A_83 = arith.constant 80 : i32
      %mul3A_84 = arith.muli %add3A_82, %mul3A_83 : i32
      %add3A_85 = arith.addi %mul3A_15, %mul3A_84 : i32
      "tpu.region"() ({
        %run_scoped3A = tpu.sem_alloc : memref<!tpu.dma_semaphore, #tpu.memory_space<semaphore_mem>>
        %dma_start3A_86 = arith.constant 0 : i32
        %dma_start3A_87 = tpu.memref_slice %arg13[%add3A_85, %dma_start3A_86] : memref<10240x128xf32, #tpu.memory_space<vmem_shared>> -> memref<80x128xf32, #tpu.memory_space<vmem_shared>>
        %dma_start3A_88 = arith.constant 0 : i32
        %dma_start3A_89 = tpu.memref_slice %arg13[%add3A_85, %dma_start3A_88] : memref<10240x128xf32, #tpu.memory_space<vmem_shared>> -> memref<80x128xf32, #tpu.memory_space<vmem_shared>>
        tpu.enqueue_dma source(%arg10 : memref<80x128xf32, #tpu.memory_space<vmem>>) target(%dma_start3A_89 : memref<80x128xf32, #tpu.memory_space<vmem_shared>>) target_semaphore(%run_scoped3A : memref<!tpu.dma_semaphore, #tpu.memory_space<semaphore_mem>>)
        %dma_wait3A_90 = arith.constant 0 : i32
        %dma_wait3A_91 = tpu.memref_slice %arg13[%add3A_85, %dma_wait3A_90] : memref<10240x128xf32, #tpu.memory_space<vmem_shared>> -> memref<80x128xf32, #tpu.memory_space<vmem_shared>>
        %dma_wait3A_92 = arith.constant 0 : i32
        %dma_wait3A_93 = tpu.memref_slice %arg13[%add3A_85, %dma_wait3A_92] : memref<10240x128xf32, #tpu.memory_space<vmem_shared>> -> memref<80x128xf32, #tpu.memory_space<vmem_shared>>
        tpu.wait_dma2 semaphore(%run_scoped3A : memref<!tpu.dma_semaphore, #tpu.memory_space<semaphore_mem>>) src(%arg10 : memref<80x128xf32, #tpu.memory_space<vmem>>) dst(%dma_wait3A_93 : memref<80x128xf32, #tpu.memory_space<vmem_shared>>)
        tpu.yield
      }) : () -> ()
    }
    %scan3A_20 = arith.constant 8 : i32
    %dma_wait3A = arith.constant 0 : i32
    %dma_wait3A_21 = arith.constant 0 : i32
    %dma_wait3A_22 = tpu.memref_slice %arg3[%add3A, %dma_wait3A, %dma_wait3A_21] : memref<32x125x80xi32, #tpu.memory_space<hbm>> -> memref<1x125x80xi32, #tpu.memory_space<hbm>>
    %dma_wait3A_23 = tpu.memref_squeeze %dma_wait3A_22 : memref<1x125x80xi32, #tpu.memory_space<hbm>> -> memref<125x80xi32, #tpu.memory_space<hbm>>
    %dma_wait3A_24 = arith.constant 0 : i32
    %dma_wait3A_25 = arith.constant 0 : i32
    %dma_wait3A_26 = tpu.memref_slice %arg3[%add3A, %dma_wait3A_24, %dma_wait3A_25] : memref<32x125x80xi32, #tpu.memory_space<hbm>> -> memref<1x125x80xi32, #tpu.memory_space<hbm>>
    %dma_wait3A_27 = tpu.memref_squeeze %dma_wait3A_26 : memref<1x125x80xi32, #tpu.memory_space<hbm>> -> memref<125x80xi32, #tpu.memory_space<hbm>>
    tpu.wait_dma2 semaphore(%arg14 : memref<!tpu.dma_semaphore, #tpu.memory_space<semaphore_mem>>) src(%dma_wait3A_27 : memref<125x80xi32, #tpu.memory_space<hbm>>) dst(%arg6 : memref<125x80xi32, #tpu.memory_space<vmem>>)
    %barrier3A = arith.constant 0 : index
    tpu.barrier barrier_id(%barrier3A)
    %add3A_28 = arith.constant 0 : i32
    %add3A_29 = arith.addi %mul3A_2, %add3A_28 : i32
    %dma_start3A_30 = tpu.memref_slice %arg4[%add3A_29] : memref<320000xi32, #tpu.memory_space<hbm>> -> memref<80xi32, #tpu.memory_space<hbm>>
    %dma_start3A_31 = tpu.memref_slice %arg4[%add3A_29] : memref<320000xi32, #tpu.memory_space<hbm>> -> memref<80xi32, #tpu.memory_space<hbm>>
    tpu.enqueue_dma source(%dma_start3A_31 : memref<80xi32, #tpu.memory_space<hbm>>) target(%arg7 : memref<80xi32, #tpu.memory_space<vmem>>) target_semaphore(%arg17 : memref<!tpu.dma_semaphore, #tpu.memory_space<semaphore_mem>>)
    %dma_start3A_32 = arith.constant 0 : i32
    %dma_start3A_33 = arith.constant 0 : i32
    %dma_start3A_34 = tpu.memref_slice %arg6[%dma_start3A_32, %dma_start3A_33] : memref<125x80xi32, #tpu.memory_space<vmem>> -> memref<1x80xi32, #tpu.memory_space<vmem>>
    %dma_start3A_35 = tpu.memref_squeeze %dma_start3A_34 : memref<1x80xi32, #tpu.memory_space<vmem>> -> memref<80xi32, #tpu.memory_space<vmem>>
    %dma_start3A_36 = arith.constant 0 : i32
    %dma_start3A_37 = arith.constant 0 : i32
    %dma_start3A_38 = tpu.memref_slice %arg2[%dma_start3A_36, %dma_start3A_37] : memref<10000x128xf32, #tpu.memory_space<hbm>> -> memref<10000x128xf32, #tpu.memory_space<hbm>>
    tpu.enqueue_indirect_dma source(%dma_start3A_38 : memref<10000x128xf32, #tpu.memory_space<hbm>>) target(%arg10 : memref<80x128xf32, #tpu.memory_space<vmem>>) offsets(%dma_start3A_35 : memref<80xi32, #tpu.memory_space<vmem>>) semaphore(%arg14 : memref<!tpu.dma_semaphore, #tpu.memory_space<semaphore_mem>>)
    %add3A_39 = arith.constant 80 : i32
    %add3A_40 = arith.addi %mul3A_2, %add3A_39 : i32
    %dma_start3A_41 = tpu.memref_slice %arg4[%add3A_40] : memref<320000xi32, #tpu.memory_space<hbm>> -> memref<80xi32, #tpu.memory_space<hbm>>
    %dma_start3A_42 = tpu.memref_slice %arg4[%add3A_40] : memref<320000xi32, #tpu.memory_space<hbm>> -> memref<80xi32, #tpu.memory_space<hbm>>
    tpu.enqueue_dma source(%dma_start3A_42 : memref<80xi32, #tpu.memory_space<hbm>>) target(%arg8 : memref<80xi32, #tpu.memory_space<vmem>>) target_semaphore(%arg18 : memref<!tpu.dma_semaphore, #tpu.memory_space<semaphore_mem>>)
    %dma_start3A_43 = arith.constant 1 : i32
    %dma_start3A_44 = arith.constant 0 : i32
    %dma_start3A_45 = tpu.memref_slice %arg6[%dma_start3A_43, %dma_start3A_44] : memref<125x80xi32, #tpu.memory_space<vmem>> -> memref<1x80xi32, #tpu.memory_space<vmem>>
    %dma_start3A_46 = tpu.memref_squeeze %dma_start3A_45 : memref<1x80xi32, #tpu.memory_space<vmem>> -> memref<80xi32, #tpu.memory_space<vmem>>
    %dma_start3A_47 = arith.constant 0 : i32
    %dma_start3A_48 = arith.constant 0 : i32
    %dma_start3A_49 = tpu.memref_slice %arg2[%dma_start3A_47, %dma_start3A_48] : memref<10000x128xf32, #tpu.memory_space<hbm>> -> memref<10000x128xf32, #tpu.memory_space<hbm>>
    tpu.enqueue_indirect_dma source(%dma_start3A_49 : memref<10000x128xf32, #tpu.memory_space<hbm>>) target(%arg11 : memref<80x128xf32, #tpu.memory_space<vmem>>) offsets(%dma_start3A_46 : memref<80xi32, #tpu.memory_space<vmem>>) semaphore(%arg15 : memref<!tpu.dma_semaphore, #tpu.memory_space<semaphore_mem>>)
    %scan3A_50 = arith.constant 0 : i32
    %scan3A_51 = arith.constant 41 : i32
    %scan3A_52 = arith.addi %scan3A_50, %scan3A_51 : i32
    %scan3A_53 = arith.constant 1 : i32
    scf.for %scan3A_78 = %scan3A_50 to %scan3A_52 step %scan3A_53  : i32 {
      %mul3A_79 = arith.constant 3 : i32
      %mul3A_80 = arith.muli %scan3A_78, %mul3A_79 : i32
      %add3A_81 = arith.constant 0 : i32
      %add3A_82 = arith.addi %add3A_81, %mul3A_80 : i32
      %add3A_83 = arith.constant 2 : i32
      %add3A_84 = arith.addi %add3A_82, %add3A_83 : i32
      %mul3A_85 = arith.constant 80 : i32
      %mul3A_86 = arith.muli %add3A_84, %mul3A_85 : i32
      %add3A_87 = arith.addi %mul3A_2, %mul3A_86 : i32
      %dma_start3A_88 = tpu.memref_slice %arg4[%add3A_87] : memref<320000xi32, #tpu.memory_space<hbm>> -> memref<80xi32, #tpu.memory_space<hbm>>
      %dma_start3A_89 = tpu.memref_slice %arg4[%add3A_87] : memref<320000xi32, #tpu.memory_space<hbm>> -> memref<80xi32, #tpu.memory_space<hbm>>
      tpu.enqueue_dma source(%dma_start3A_89 : memref<80xi32, #tpu.memory_space<hbm>>) target(%arg9 : memref<80xi32, #tpu.memory_space<vmem>>) target_semaphore(%arg19 : memref<!tpu.dma_semaphore, #tpu.memory_space<semaphore_mem>>)
      %add3A_90 = arith.constant 2 : i32
      %add3A_91 = arith.addi %add3A_82, %add3A_90 : i32
      %dma_start3A_92 = arith.constant 0 : i32
      %dma_start3A_93 = tpu.memref_slice %arg6[%add3A_91, %dma_start3A_92] : memref<125x80xi32, #tpu.memory_space<vmem>> -> memref<1x80xi32, #tpu.memory_space<vmem>>
      %dma_start3A_94 = tpu.memref_squeeze %dma_start3A_93 : memref<1x80xi32, #tpu.memory_space<vmem>> -> memref<80xi32, #tpu.memory_space<vmem>>
      %dma_start3A_95 = arith.constant 0 : i32
      %dma_start3A_96 = arith.constant 0 : i32
      %dma_start3A_97 = tpu.memref_slice %arg2[%dma_start3A_95, %dma_start3A_96] : memref<10000x128xf32, #tpu.memory_space<hbm>> -> memref<10000x128xf32, #tpu.memory_space<hbm>>
      tpu.enqueue_indirect_dma source(%dma_start3A_97 : memref<10000x128xf32, #tpu.memory_space<hbm>>) target(%arg12 : memref<80x128xf32, #tpu.memory_space<vmem>>) offsets(%dma_start3A_94 : memref<80xi32, #tpu.memory_space<vmem>>) semaphore(%arg16 : memref<!tpu.dma_semaphore, #tpu.memory_space<semaphore_mem>>)
      %dma_wait3A_98 = arith.constant 0 : i32
      %dma_wait3A_99 = tpu.memref_slice %arg6[%add3A_82, %dma_wait3A_98] : memref<125x80xi32, #tpu.memory_space<vmem>> -> memref<1x80xi32, #tpu.memory_space<vmem>>
      %dma_wait3A_100 = tpu.memref_squeeze %dma_wait3A_99 : memref<1x80xi32, #tpu.memory_space<vmem>> -> memref<80xi32, #tpu.memory_space<vmem>>
      %dma_wait3A_101 = arith.constant 0 : i32
      %dma_wait3A_102 = arith.constant 0 : i32
      %dma_wait3A_103 = tpu.memref_slice %arg2[%dma_wait3A_101, %dma_wait3A_102] : memref<10000x128xf32, #tpu.memory_space<hbm>> -> memref<10000x128xf32, #tpu.memory_space<hbm>>
      tpu.wait_indirect_dma semaphore(%arg14 : memref<!tpu.dma_semaphore, #tpu.memory_space<semaphore_mem>>) src(%dma_wait3A_103 : memref<10000x128xf32, #tpu.memory_space<hbm>>) dst(%arg10 : memref<80x128xf32, #tpu.memory_space<vmem>>)
      %mul3A_104 = arith.constant 80 : i32
      %mul3A_105 = arith.muli %add3A_82, %mul3A_104 : i32
      %add3A_106 = arith.addi %mul3A_2, %mul3A_105 : i32
      %dma_wait3A_107 = tpu.memref_slice %arg4[%add3A_106] : memref<320000xi32, #tpu.memory_space<hbm>> -> memref<80xi32, #tpu.memory_space<hbm>>
      %dma_wait3A_108 = tpu.memref_slice %arg4[%add3A_106] : memref<320000xi32, #tpu.memory_space<hbm>> -> memref<80xi32, #tpu.memory_space<hbm>>
      tpu.wait_dma2 semaphore(%arg17 : memref<!tpu.dma_semaphore, #tpu.memory_space<semaphore_mem>>) src(%dma_wait3A_108 : memref<80xi32, #tpu.memory_space<hbm>>) dst(%arg7 : memref<80xi32, #tpu.memory_space<vmem>>)
      "tpu.region"() ({
        %run_scoped3A = tpu.sem_alloc : memref<!tpu.dma_semaphore, #tpu.memory_space<semaphore_mem>>
        %dma_start3A_165 = arith.constant 0 : i32
        %dma_start3A_166 = arith.constant 0 : i32
        %dma_start3A_167 = tpu.memref_slice %arg13[%dma_start3A_165, %dma_start3A_166] : memref<10240x128xf32, #tpu.memory_space<vmem_shared>> -> memref<10240x128xf32, #tpu.memory_space<vmem_shared>>
        tpu.enqueue_indirect_dma source(%arg10 : memref<80x128xf32, #tpu.memory_space<vmem>>) target(%dma_start3A_167 : memref<10240x128xf32, #tpu.memory_space<vmem_shared>>) offsets(%arg7 : memref<80xi32, #tpu.memory_space<vmem>>) semaphore(%run_scoped3A : memref<!tpu.dma_semaphore, #tpu.memory_space<semaphore_mem>>) {add = true}
        %dma_wait3A_168 = arith.constant 0 : i32
        %dma_wait3A_169 = arith.constant 0 : i32
        %dma_wait3A_170 = tpu.memref_slice %arg13[%dma_wait3A_168, %dma_wait3A_169] : memref<10240x128xf32, #tpu.memory_space<vmem_shared>> -> memref<10240x128xf32, #tpu.memory_space<vmem_shared>>
        tpu.wait_indirect_dma semaphore(%run_scoped3A : memref<!tpu.dma_semaphore, #tpu.memory_space<semaphore_mem>>) src(%arg10 : memref<80x128xf32, #tpu.memory_space<vmem>>) dst(%dma_wait3A_170 : memref<10240x128xf32, #tpu.memory_space<vmem_shared>>)
        tpu.yield
      }) : () -> ()
      %add3A_109 = arith.constant 1 : i32
      %add3A_110 = arith.addi %add3A_82, %add3A_109 : i32
      %add3A_111 = arith.constant 2 : i32
      %add3A_112 = arith.addi %add3A_110, %add3A_111 : i32
      %mul3A_113 = arith.constant 80 : i32
      %mul3A_114 = arith.muli %add3A_112, %mul3A_113 : i32
      %add3A_115 = arith.addi %mul3A_2, %mul3A_114 : i32
      %dma_start3A_116 = tpu.memref_slice %arg4[%add3A_115] : memref<320000xi32, #tpu.memory_space<hbm>> -> memref<80xi32, #tpu.memory_space<hbm>>
      %dma_start3A_117 = tpu.memref_slice %arg4[%add3A_115] : memref<320000xi32, #tpu.memory_space<hbm>> -> memref<80xi32, #tpu.memory_space<hbm>>
      tpu.enqueue_dma source(%dma_start3A_117 : memref<80xi32, #tpu.memory_space<hbm>>) target(%arg7 : memref<80xi32, #tpu.memory_space<vmem>>) target_semaphore(%arg17 : memref<!tpu.dma_semaphore, #tpu.memory_space<semaphore_mem>>)
      %add3A_118 = arith.constant 2 : i32
      %add3A_119 = arith.addi %add3A_110, %add3A_118 : i32
      %dma_start3A_120 = arith.constant 0 : i32
      %dma_start3A_121 = tpu.memref_slice %arg6[%add3A_119, %dma_start3A_120] : memref<125x80xi32, #tpu.memory_space<vmem>> -> memref<1x80xi32, #tpu.memory_space<vmem>>
      %dma_start3A_122 = tpu.memref_squeeze %dma_start3A_121 : memref<1x80xi32, #tpu.memory_space<vmem>> -> memref<80xi32, #tpu.memory_space<vmem>>
      %dma_start3A_123 = arith.constant 0 : i32
      %dma_start3A_124 = arith.constant 0 : i32
      %dma_start3A_125 = tpu.memref_slice %arg2[%dma_start3A_123, %dma_start3A_124] : memref<10000x128xf32, #tpu.memory_space<hbm>> -> memref<10000x128xf32, #tpu.memory_space<hbm>>
      tpu.enqueue_indirect_dma source(%dma_start3A_125 : memref<10000x128xf32, #tpu.memory_space<hbm>>) target(%arg10 : memref<80x128xf32, #tpu.memory_space<vmem>>) offsets(%dma_start3A_122 : memref<80xi32, #tpu.memory_space<vmem>>) semaphore(%arg14 : memref<!tpu.dma_semaphore, #tpu.memory_space<semaphore_mem>>)
      %dma_wait3A_126 = arith.constant 0 : i32
      %dma_wait3A_127 = tpu.memref_slice %arg6[%add3A_110, %dma_wait3A_126] : memref<125x80xi32, #tpu.memory_space<vmem>> -> memref<1x80xi32, #tpu.memory_space<vmem>>
      %dma_wait3A_128 = tpu.memref_squeeze %dma_wait3A_127 : memref<1x80xi32, #tpu.memory_space<vmem>> -> memref<80xi32, #tpu.memory_space<vmem>>
      %dma_wait3A_129 = arith.constant 0 : i32
      %dma_wait3A_130 = arith.constant 0 : i32
      %dma_wait3A_131 = tpu.memref_slice %arg2[%dma_wait3A_129, %dma_wait3A_130] : memref<10000x128xf32, #tpu.memory_space<hbm>> -> memref<10000x128xf32, #tpu.memory_space<hbm>>
      tpu.wait_indirect_dma semaphore(%arg15 : memref<!tpu.dma_semaphore, #tpu.memory_space<semaphore_mem>>) src(%dma_wait3A_131 : memref<10000x128xf32, #tpu.memory_space<hbm>>) dst(%arg11 : memref<80x128xf32, #tpu.memory_space<vmem>>)
      %mul3A_132 = arith.constant 80 : i32
      %mul3A_133 = arith.muli %add3A_110, %mul3A_132 : i32
      %add3A_134 = arith.addi %mul3A_2, %mul3A_133 : i32
      %dma_wait3A_135 = tpu.memref_slice %arg4[%add3A_134] : memref<320000xi32, #tpu.memory_space<hbm>> -> memref<80xi32, #tpu.memory_space<hbm>>
      %dma_wait3A_136 = tpu.memref_slice %arg4[%add3A_134] : memref<320000xi32, #tpu.memory_space<hbm>> -> memref<80xi32, #tpu.memory_space<hbm>>
      tpu.wait_dma2 semaphore(%arg18 : memref<!tpu.dma_semaphore, #tpu.memory_space<semaphore_mem>>) src(%dma_wait3A_136 : memref<80xi32, #tpu.memory_space<hbm>>) dst(%arg8 : memref<80xi32, #tpu.memory_space<vmem>>)
      "tpu.region"() ({
        %run_scoped3A = tpu.sem_alloc : memref<!tpu.dma_semaphore, #tpu.memory_space<semaphore_mem>>
        %dma_start3A_165 = arith.constant 0 : i32
        %dma_start3A_166 = arith.constant 0 : i32
        %dma_start3A_167 = tpu.memref_slice %arg13[%dma_start3A_165, %dma_start3A_166] : memref<10240x128xf32, #tpu.memory_space<vmem_shared>> -> memref<10240x128xf32, #tpu.memory_space<vmem_shared>>
        tpu.enqueue_indirect_dma source(%arg11 : memref<80x128xf32, #tpu.memory_space<vmem>>) target(%dma_start3A_167 : memref<10240x128xf32, #tpu.memory_space<vmem_shared>>) offsets(%arg8 : memref<80xi32, #tpu.memory_space<vmem>>) semaphore(%run_scoped3A : memref<!tpu.dma_semaphore, #tpu.memory_space<semaphore_mem>>) {add = true}
        %dma_wait3A_168 = arith.constant 0 : i32
        %dma_wait3A_169 = arith.constant 0 : i32
        %dma_wait3A_170 = tpu.memref_slice %arg13[%dma_wait3A_168, %dma_wait3A_169] : memref<10240x128xf32, #tpu.memory_space<vmem_shared>> -> memref<10240x128xf32, #tpu.memory_space<vmem_shared>>
        tpu.wait_indirect_dma semaphore(%run_scoped3A : memref<!tpu.dma_semaphore, #tpu.memory_space<semaphore_mem>>) src(%arg11 : memref<80x128xf32, #tpu.memory_space<vmem>>) dst(%dma_wait3A_170 : memref<10240x128xf32, #tpu.memory_space<vmem_shared>>)
        tpu.yield
      }) : () -> ()
      %add3A_137 = arith.constant 2 : i32
      %add3A_138 = arith.addi %add3A_82, %add3A_137 : i32
      %add3A_139 = arith.constant 2 : i32
      %add3A_140 = arith.addi %add3A_138, %add3A_139 : i32
      %mul3A_141 = arith.constant 80 : i32
      %mul3A_142 = arith.muli %add3A_140, %mul3A_141 : i32
      %add3A_143 = arith.addi %mul3A_2, %mul3A_142 : i32
      %dma_start3A_144 = tpu.memref_slice %arg4[%add3A_143] : memref<320000xi32, #tpu.memory_space<hbm>> -> memref<80xi32, #tpu.memory_space<hbm>>
      %dma_start3A_145 = tpu.memref_slice %arg4[%add3A_143] : memref<320000xi32, #tpu.memory_space<hbm>> -> memref<80xi32, #tpu.memory_space<hbm>>
      tpu.enqueue_dma source(%dma_start3A_145 : memref<80xi32, #tpu.memory_space<hbm>>) target(%arg8 : memref<80xi32, #tpu.memory_space<vmem>>) target_semaphore(%arg18 : memref<!tpu.dma_semaphore, #tpu.memory_space<semaphore_mem>>)
      %add3A_146 = arith.constant 2 : i32
      %add3A_147 = arith.addi %add3A_138, %add3A_146 : i32
      %dma_start3A_148 = arith.constant 0 : i32
      %dma_start3A_149 = tpu.memref_slice %arg6[%add3A_147, %dma_start3A_148] : memref<125x80xi32, #tpu.memory_space<vmem>> -> memref<1x80xi32, #tpu.memory_space<vmem>>
      %dma_start3A_150 = tpu.memref_squeeze %dma_start3A_149 : memref<1x80xi32, #tpu.memory_space<vmem>> -> memref<80xi32, #tpu.memory_space<vmem>>
      %dma_start3A_151 = arith.constant 0 : i32
      %dma_start3A_152 = arith.constant 0 : i32
      %dma_start3A_153 = tpu.memref_slice %arg2[%dma_start3A_151, %dma_start3A_152] : memref<10000x128xf32, #tpu.memory_space<hbm>> -> memref<10000x128xf32, #tpu.memory_space<hbm>>
      tpu.enqueue_indirect_dma source(%dma_start3A_153 : memref<10000x128xf32, #tpu.memory_space<hbm>>) target(%arg11 : memref<80x128xf32, #tpu.memory_space<vmem>>) offsets(%dma_start3A_150 : memref<80xi32, #tpu.memory_space<vmem>>) semaphore(%arg15 : memref<!tpu.dma_semaphore, #tpu.memory_space<semaphore_mem>>)
      %dma_wait3A_154 = arith.constant 0 : i32
      %dma_wait3A_155 = tpu.memref_slice %arg6[%add3A_138, %dma_wait3A_154] : memref<125x80xi32, #tpu.memory_space<vmem>> -> memref<1x80xi32, #tpu.memory_space<vmem>>
      %dma_wait3A_156 = tpu.memref_squeeze %dma_wait3A_155 : memref<1x80xi32, #tpu.memory_space<vmem>> -> memref<80xi32, #tpu.memory_space<vmem>>
      %dma_wait3A_157 = arith.constant 0 : i32
      %dma_wait3A_158 = arith.constant 0 : i32
      %dma_wait3A_159 = tpu.memref_slice %arg2[%dma_wait3A_157, %dma_wait3A_158] : memref<10000x128xf32, #tpu.memory_space<hbm>> -> memref<10000x128xf32, #tpu.memory_space<hbm>>
      tpu.wait_indirect_dma semaphore(%arg16 : memref<!tpu.dma_semaphore, #tpu.memory_space<semaphore_mem>>) src(%dma_wait3A_159 : memref<10000x128xf32, #tpu.memory_space<hbm>>) dst(%arg12 : memref<80x128xf32, #tpu.memory_space<vmem>>)
      %mul3A_160 = arith.constant 80 : i32
      %mul3A_161 = arith.muli %add3A_138, %mul3A_160 : i32
      %add3A_162 = arith.addi %mul3A_2, %mul3A_161 : i32
      %dma_wait3A_163 = tpu.memref_slice %arg4[%add3A_162] : memref<320000xi32, #tpu.memory_space<hbm>> -> memref<80xi32, #tpu.memory_space<hbm>>
      %dma_wait3A_164 = tpu.memref_slice %arg4[%add3A_162] : memref<320000xi32, #tpu.memory_space<hbm>> -> memref<80xi32, #tpu.memory_space<hbm>>
      tpu.wait_dma2 semaphore(%arg19 : memref<!tpu.dma_semaphore, #tpu.memory_space<semaphore_mem>>) src(%dma_wait3A_164 : memref<80xi32, #tpu.memory_space<hbm>>) dst(%arg9 : memref<80xi32, #tpu.memory_space<vmem>>)
      "tpu.region"() ({
        %run_scoped3A = tpu.sem_alloc : memref<!tpu.dma_semaphore, #tpu.memory_space<semaphore_mem>>
        %dma_start3A_165 = arith.constant 0 : i32
        %dma_start3A_166 = arith.constant 0 : i32
        %dma_start3A_167 = tpu.memref_slice %arg13[%dma_start3A_165, %dma_start3A_166] : memref<10240x128xf32, #tpu.memory_space<vmem_shared>> -> memref<10240x128xf32, #tpu.memory_space<vmem_shared>>
        tpu.enqueue_indirect_dma source(%arg12 : memref<80x128xf32, #tpu.memory_space<vmem>>) target(%dma_start3A_167 : memref<10240x128xf32, #tpu.memory_space<vmem_shared>>) offsets(%arg9 : memref<80xi32, #tpu.memory_space<vmem>>) semaphore(%run_scoped3A : memref<!tpu.dma_semaphore, #tpu.memory_space<semaphore_mem>>) {add = true}
        %dma_wait3A_168 = arith.constant 0 : i32
        %dma_wait3A_169 = arith.constant 0 : i32
        %dma_wait3A_170 = tpu.memref_slice %arg13[%dma_wait3A_168, %dma_wait3A_169] : memref<10240x128xf32, #tpu.memory_space<vmem_shared>> -> memref<10240x128xf32, #tpu.memory_space<vmem_shared>>
        tpu.wait_indirect_dma semaphore(%run_scoped3A : memref<!tpu.dma_semaphore, #tpu.memory_space<semaphore_mem>>) src(%arg12 : memref<80x128xf32, #tpu.memory_space<vmem>>) dst(%dma_wait3A_170 : memref<10240x128xf32, #tpu.memory_space<vmem_shared>>)
        tpu.yield
      }) : () -> ()
    }
    %scan3A_54 = arith.constant 41 : i32
    %dma_wait3A_55 = arith.constant 123 : i32
    %dma_wait3A_56 = arith.constant 0 : i32
    %dma_wait3A_57 = tpu.memref_slice %arg6[%dma_wait3A_55, %dma_wait3A_56] : memref<125x80xi32, #tpu.memory_space<vmem>> -> memref<1x80xi32, #tpu.memory_space<vmem>>
    %dma_wait3A_58 = tpu.memref_squeeze %dma_wait3A_57 : memref<1x80xi32, #tpu.memory_space<vmem>> -> memref<80xi32, #tpu.memory_space<vmem>>
    %dma_wait3A_59 = arith.constant 0 : i32
    %dma_wait3A_60 = arith.constant 0 : i32
    %dma_wait3A_61 = tpu.memref_slice %arg2[%dma_wait3A_59, %dma_wait3A_60] : memref<10000x128xf32, #tpu.memory_space<hbm>> -> memref<10000x128xf32, #tpu.memory_space<hbm>>
    tpu.wait_indirect_dma semaphore(%arg14 : memref<!tpu.dma_semaphore, #tpu.memory_space<semaphore_mem>>) src(%dma_wait3A_61 : memref<10000x128xf32, #tpu.memory_space<hbm>>) dst(%arg10 : memref<80x128xf32, #tpu.memory_space<vmem>>)
    %add3A_62 = arith.constant 9840 : i32
    %add3A_63 = arith.addi %mul3A_2, %add3A_62 : i32
    %dma_wait3A_64 = tpu.memref_slice %arg4[%add3A_63] : memref<320000xi32, #tpu.memory_space<hbm>> -> memref<80xi32, #tpu.memory_space<hbm>>
    %dma_wait3A_65 = tpu.memref_slice %arg4[%add3A_63] : memref<320000xi32, #tpu.memory_space<hbm>> -> memref<80xi32, #tpu.memory_space<hbm>>
    tpu.wait_dma2 semaphore(%arg17 : memref<!tpu.dma_semaphore, #tpu.memory_space<semaphore_mem>>) src(%dma_wait3A_65 : memref<80xi32, #tpu.memory_space<hbm>>) dst(%arg7 : memref<80xi32, #tpu.memory_space<vmem>>)
    "tpu.region"() ({
      %run_scoped3A = tpu.sem_alloc : memref<!tpu.dma_semaphore, #tpu.memory_space<semaphore_mem>>
      %dma_start3A_78 = arith.constant 0 : i32
      %dma_start3A_79 = arith.constant 0 : i32
      %dma_start3A_80 = tpu.memref_slice %arg13[%dma_start3A_78, %dma_start3A_79] : memref<10240x128xf32, #tpu.memory_space<vmem_shared>> -> memref<10240x128xf32, #tpu.memory_space<vmem_shared>>
      tpu.enqueue_indirect_dma source(%arg10 : memref<80x128xf32, #tpu.memory_space<vmem>>) target(%dma_start3A_80 : memref<10240x128xf32, #tpu.memory_space<vmem_shared>>) offsets(%arg7 : memref<80xi32, #tpu.memory_space<vmem>>) semaphore(%run_scoped3A : memref<!tpu.dma_semaphore, #tpu.memory_space<semaphore_mem>>) {add = true}
      %dma_wait3A_81 = arith.constant 0 : i32
      %dma_wait3A_82 = arith.constant 0 : i32
      %dma_wait3A_83 = tpu.memref_slice %arg13[%dma_wait3A_81, %dma_wait3A_82] : memref<10240x128xf32, #tpu.memory_space<vmem_shared>> -> memref<10240x128xf32, #tpu.memory_space<vmem_shared>>
      tpu.wait_indirect_dma semaphore(%run_scoped3A : memref<!tpu.dma_semaphore, #tpu.memory_space<semaphore_mem>>) src(%arg10 : memref<80x128xf32, #tpu.memory_space<vmem>>) dst(%dma_wait3A_83 : memref<10240x128xf32, #tpu.memory_space<vmem_shared>>)
      tpu.yield
    }) : () -> ()
    %dma_wait3A_66 = arith.constant 124 : i32
    %dma_wait3A_67 = arith.constant 0 : i32
    %dma_wait3A_68 = tpu.memref_slice %arg6[%dma_wait3A_66, %dma_wait3A_67] : memref<125x80xi32, #tpu.memory_space<vmem>> -> memref<1x80xi32, #tpu.memory_space<vmem>>
    %dma_wait3A_69 = tpu.memref_squeeze %dma_wait3A_68 : memref<1x80xi32, #tpu.memory_space<vmem>> -> memref<80xi32, #tpu.memory_space<vmem>>
    %dma_wait3A_70 = arith.constant 0 : i32
    %dma_wait3A_71 = arith.constant 0 : i32
    %dma_wait3A_72 = tpu.memref_slice %arg2[%dma_wait3A_70, %dma_wait3A_71] : memref<10000x128xf32, #tpu.memory_space<hbm>> -> memref<10000x128xf32, #tpu.memory_space<hbm>>
    tpu.wait_indirect_dma semaphore(%arg15 : memref<!tpu.dma_semaphore, #tpu.memory_space<semaphore_mem>>) src(%dma_wait3A_72 : memref<10000x128xf32, #tpu.memory_space<hbm>>) dst(%arg11 : memref<80x128xf32, #tpu.memory_space<vmem>>)
    %add3A_73 = arith.constant 9920 : i32
    %add3A_74 = arith.addi %mul3A_2, %add3A_73 : i32
    %dma_wait3A_75 = tpu.memref_slice %arg4[%add3A_74] : memref<320000xi32, #tpu.memory_space<hbm>> -> memref<80xi32, #tpu.memory_space<hbm>>
    %dma_wait3A_76 = tpu.memref_slice %arg4[%add3A_74] : memref<320000xi32, #tpu.memory_space<hbm>> -> memref<80xi32, #tpu.memory_space<hbm>>
    tpu.wait_dma2 semaphore(%arg18 : memref<!tpu.dma_semaphore, #tpu.memory_space<semaphore_mem>>) src(%dma_wait3A_76 : memref<80xi32, #tpu.memory_space<hbm>>) dst(%arg8 : memref<80xi32, #tpu.memory_space<vmem>>)
    "tpu.region"() ({
      %run_scoped3A = tpu.sem_alloc : memref<!tpu.dma_semaphore, #tpu.memory_space<semaphore_mem>>
      %dma_start3A_78 = arith.constant 0 : i32
      %dma_start3A_79 = arith.constant 0 : i32
      %dma_start3A_80 = tpu.memref_slice %arg13[%dma_start3A_78, %dma_start3A_79] : memref<10240x128xf32, #tpu.memory_space<vmem_shared>> -> memref<10240x128xf32, #tpu.memory_space<vmem_shared>>
      tpu.enqueue_indirect_dma source(%arg11 : memref<80x128xf32, #tpu.memory_space<vmem>>) target(%dma_start3A_80 : memref<10240x128xf32, #tpu.memory_space<vmem_shared>>) offsets(%arg8 : memref<80xi32, #tpu.memory_space<vmem>>) semaphore(%run_scoped3A : memref<!tpu.dma_semaphore, #tpu.memory_space<semaphore_mem>>) {add = true}
      %dma_wait3A_81 = arith.constant 0 : i32
      %dma_wait3A_82 = arith.constant 0 : i32
      %dma_wait3A_83 = tpu.memref_slice %arg13[%dma_wait3A_81, %dma_wait3A_82] : memref<10240x128xf32, #tpu.memory_space<vmem_shared>> -> memref<10240x128xf32, #tpu.memory_space<vmem_shared>>
      tpu.wait_indirect_dma semaphore(%run_scoped3A : memref<!tpu.dma_semaphore, #tpu.memory_space<semaphore_mem>>) src(%arg11 : memref<80x128xf32, #tpu.memory_space<vmem>>) dst(%dma_wait3A_83 : memref<10240x128xf32, #tpu.memory_space<vmem_shared>>)
      tpu.yield
    }) : () -> ()
    %barrier3A_77 = arith.constant 0 : index
    tpu.barrier barrier_id(%barrier3A_77)
    "tpu.region"() ({
      %run_scoped3A = tpu.sem_alloc : memref<!tpu.dma_semaphore, #tpu.memory_space<semaphore_mem>>
      %dma_start3A_78 = arith.constant 0 : i32
      %dma_start3A_79 = arith.constant 0 : i32
      %dma_start3A_80 = tpu.memref_slice %arg5[%arg0, %dma_start3A_78, %dma_start3A_79] : memref<2x10240x128xf32, #tpu.memory_space<hbm>> -> memref<1x10240x128xf32, #tpu.memory_space<hbm>>
      %dma_start3A_81 = tpu.memref_squeeze %dma_start3A_80 : memref<1x10240x128xf32, #tpu.memory_space<hbm>> -> memref<10240x128xf32, #tpu.memory_space<hbm>>
      %dma_start3A_82 = arith.constant 0 : i32
      %dma_start3A_83 = tpu.memref_slice %dma_start3A_81[%mul3A_15, %dma_start3A_82] : memref<10240x128xf32, #tpu.memory_space<hbm>> -> memref<640x128xf32, #tpu.memory_space<hbm>>
      %dma_start3A_84 = arith.constant 0 : i32
      %dma_start3A_85 = tpu.memref_slice %arg13[%mul3A_15, %dma_start3A_84] : memref<10240x128xf32, #tpu.memory_space<vmem_shared>> -> memref<640x128xf32, #tpu.memory_space<vmem_shared>>
      tpu.enqueue_dma source(%dma_start3A_85 : memref<640x128xf32, #tpu.memory_space<vmem_shared>>) target(%dma_start3A_83 : memref<640x128xf32, #tpu.memory_space<hbm>>) target_semaphore(%run_scoped3A : memref<!tpu.dma_semaphore, #tpu.memory_space<semaphore_mem>>)
      %dma_wait3A_86 = arith.constant 0 : i32
      %dma_wait3A_87 = arith.constant 0 : i32
      %dma_wait3A_88 = tpu.memref_slice %arg5[%arg0, %dma_wait3A_86, %dma_wait3A_87] : memref<2x10240x128xf32, #tpu.memory_space<hbm>> -> memref<1x10240x128xf32, #tpu.memory_space<hbm>>
      %dma_wait3A_89 = tpu.memref_squeeze %dma_wait3A_88 : memref<1x10240x128xf32, #tpu.memory_space<hbm>> -> memref<10240x128xf32, #tpu.memory_space<hbm>>
      %dma_wait3A_90 = arith.constant 0 : i32
      %dma_wait3A_91 = tpu.memref_slice %dma_wait3A_89[%mul3A_15, %dma_wait3A_90] : memref<10240x128xf32, #tpu.memory_space<hbm>> -> memref<640x128xf32, #tpu.memory_space<hbm>>
      %dma_wait3A_92 = arith.constant 0 : i32
      %dma_wait3A_93 = tpu.memref_slice %arg13[%mul3A_15, %dma_wait3A_92] : memref<10240x128xf32, #tpu.memory_space<vmem_shared>> -> memref<640x128xf32, #tpu.memory_space<vmem_shared>>
      tpu.wait_dma2 semaphore(%run_scoped3A : memref<!tpu.dma_semaphore, #tpu.memory_space<semaphore_mem>>) src(%dma_wait3A_93 : memref<640x128xf32, #tpu.memory_space<vmem_shared>>) dst(%dma_wait3A_91 : memref<640x128xf32, #tpu.memory_space<hbm>>)
      tpu.yield
    }) : () -> ()
    return
  }
}

module attributes {stable_mosaic.version = 14 : i64} {
  func.func @body(%arg0: i32, %arg1: memref<2x1000x128xf32, #tpu.memory_space<vmem>>, %arg2: memref<1000x128xf32, #tpu.memory_space<vmem>>) attributes {dimension_semantics = [#tpu.dimension_semantics<arbitrary>], iteration_bounds = array<i64: 10>, scalar_prefetch = 0 : i64, scratch_operands = 0 : i64, tpu.core_type = #tpu.core_type<tc>, window_params = [{transform_indices = @transform_0, window_bounds = array<i64: 2, 1000, 128>}, {transform_indices = @transform_1, window_bounds = array<i64: 1000, 128>}]} {
    %get3A = arith.constant 0 : index
    %get3A_0 = arith.constant 0 : index
    %get3A_1 = arith.constant 0 : index
    %get3A_2 = vector.load %arg1[%get3A, %get3A_0, %get3A_1] : memref<2x1000x128xf32, #tpu.memory_space<vmem>>, vector<1x1000x128xf32>
    %get3A_3 = vector.shape_cast %get3A_2 : vector<1x1000x128xf32> to vector<1000x128xf32>
    %get3A_4 = arith.constant 1 : index
    %get3A_5 = arith.constant 0 : index
    %get3A_6 = arith.constant 0 : index
    %get3A_7 = vector.load %arg1[%get3A_4, %get3A_5, %get3A_6] : memref<2x1000x128xf32, #tpu.memory_space<vmem>>, vector<1x1000x128xf32>
    %get3A_8 = vector.shape_cast %get3A_7 : vector<1x1000x128xf32> to vector<1000x128xf32>
    %add3A = arith.addf %get3A_3, %get3A_8 : vector<1000x128xf32>
    %swap3A = arith.constant 0 : index
    %swap3A_9 = arith.constant 0 : index
    %swap3A_10 = vector.load %arg2[%swap3A, %swap3A_9] : memref<1000x128xf32, #tpu.memory_space<vmem>>, vector<1000x128xf32>
    tpu.vector_store %arg2[%swap3A, %swap3A_9], %add3A {strides = array<i32>} : memref<1000x128xf32, #tpu.memory_space<vmem>>, vector<1000x128xf32>,
    return
  }
  func.func @transform_0(%arg0: i32) -> (i32, i32, i32) {
    %c0_i32 = arith.constant 0 : i32
    %c0_i32_0 = arith.constant 0 : i32
    %c0_i32_1 = arith.constant 0 : i32
    return %c0_i32, %arg0, %c0_i32_0 : i32, i32, i32
  }
  func.func @transform_1(%arg0: i32) -> (i32, i32) {
    %c0_i32 = arith.constant 0 : i32
    %c0_i32_0 = arith.constant 0 : i32
    return %arg0, %c0_i32 : i32, i32
  }
}

module attributes {stable_mosaic.version = 14 : i64} {
  func.func @body(%arg0: i32, %arg1: memref<2x10000x128xf32, #tpu.memory_space<vmem>>, %arg2: memref<128x128xf32, #tpu.memory_space<vmem>>, %arg3: memref<1x128xf32, #tpu.memory_space<vmem>>, %arg4: memref<1x128xf32, #tpu.memory_space<vmem>>, %arg5: memref<1xf32, #tpu.memory_space<smem>>, %arg6: memref<10000x1xf32, #tpu.memory_space<vmem>>) attributes {dimension_semantics = [#tpu.dimension_semantics<arbitrary>], iteration_bounds = array<i64: 1>, scalar_prefetch = 0 : i64, scratch_operands = 0 : i64, tpu.core_type = #tpu.core_type<tc>, window_params = [{transform_indices = @transform_0, window_bounds = array<i64: 2, 10000, 128>}, {pipeline_mode = #tpu.pipeline_mode<synchronous>, transform_indices = @transform_1, window_bounds = array<i64: 128, 128>}, {pipeline_mode = #tpu.pipeline_mode<synchronous>, transform_indices = @transform_2, window_bounds = array<i64: 1, 128>}, {pipeline_mode = #tpu.pipeline_mode<synchronous>, transform_indices = @transform_3, window_bounds = array<i64: 1, 128>}, {transform_indices = @transform_4, window_bounds = array<i64: 1>}, {pipeline_mode = #tpu.pipeline_mode<synchronous>, transform_indices = @transform_5, window_bounds = array<i64: 10000, 1>}]} {
    %get3A = arith.constant 0 : index
    %get3A_0 = arith.constant 0 : index
    %get3A_1 = arith.constant 0 : index
    %get3A_2 = vector.load %arg1[%get3A, %get3A_0, %get3A_1] : memref<2x10000x128xf32, #tpu.memory_space<vmem>>, vector<1x10000x128xf32>
    %get3A_3 = vector.shape_cast %get3A_2 : vector<1x10000x128xf32> to vector<10000x128xf32>
    %get3A_4 = arith.constant 1 : index
    %get3A_5 = arith.constant 0 : index
    %get3A_6 = arith.constant 0 : index
    %get3A_7 = vector.load %arg1[%get3A_4, %get3A_5, %get3A_6] : memref<2x10000x128xf32, #tpu.memory_space<vmem>>, vector<1x10000x128xf32>
    %get3A_8 = vector.shape_cast %get3A_7 : vector<1x10000x128xf32> to vector<10000x128xf32>
    %add3A = arith.addf %get3A_3, %get3A_8 : vector<10000x128xf32>
    %get3A_9 = arith.constant 0 : index
    %get3A_10 = arith.constant 0 : index
    %get3A_11 = vector.load %arg2[%get3A_9, %get3A_10] : memref<128x128xf32, #tpu.memory_space<vmem>>, vector<128x128xf32>
    %dot_general3A = arith.constant dense<0.000000e+00> : vector<10000x128xf32>
    %dot_general3A_12 = tpu.matmul %add3A, %get3A_11, %dot_general3A {dimension_numbers = #tpu.dot_dimension_numbers<[1], [0], [0], [1], [0, 0, 1, 1], [], []>, transpose_lhs_hint = false} : vector<10000x128xf32>, vector<128x128xf32>, vector<10000x128xf32> -> vector<10000x128xf32>
    %get3A_13 = arith.constant 0 : index
    %get3A_14 = arith.constant 0 : index
    %get3A_15 = vector.load %arg3[%get3A_13, %get3A_14] : memref<1x128xf32, #tpu.memory_space<vmem>>, vector<1x128xf32>
    %add3A_16 = vector.broadcast %get3A_15 : vector<1x128xf32> to vector<10000x128xf32>
    %add3A_17 = arith.addf %dot_general3A_12, %add3A_16 : vector<10000x128xf32>
    %max3A = arith.constant 0.000000e+00 : f32
    %max3A_18 = vector.broadcast %max3A : f32 to vector<10000x128xf32>
    %max3A_19 = arith.maximumf %add3A_17, %max3A_18 : vector<10000x128xf32>
    %get3A_20 = arith.constant 0 : index
    %get3A_21 = arith.constant 0 : index
    %get3A_22 = vector.load %arg4[%get3A_20, %get3A_21] : memref<1x128xf32, #tpu.memory_space<vmem>>, vector<1x128xf32>
    %mul3A = vector.broadcast %get3A_22 : vector<1x128xf32> to vector<10000x128xf32>
    %mul3A_23 = arith.mulf %max3A_19, %mul3A : vector<10000x128xf32>
    %reduce_sum3A = arith.constant dense<0.000000e+00> : vector<10000xf32>
    %reduce_sum3A_24 = vector.multi_reduction <add>, %mul3A_23, %reduce_sum3A [1] : vector<10000x128xf32> to vector<10000xf32>
    %broadcast_in_dim3A = vector.shape_cast %reduce_sum3A_24 : vector<10000xf32> to vector<10000x1xf32>
    %get3A_25 = arith.constant 0 : index
    %get3A_26 = memref.load %arg5[%get3A_25] : memref<1xf32, #tpu.memory_space<smem>>
    %add3A_27 = vector.broadcast %get3A_26 : f32 to vector<10000x1xf32>
    %add3A_28 = arith.addf %broadcast_in_dim3A, %add3A_27 : vector<10000x1xf32>
    %swap3A = arith.constant 0 : index
    %swap3A_29 = arith.constant 0 : index
    %swap3A_30 = vector.load %arg6[%swap3A, %swap3A_29] : memref<10000x1xf32, #tpu.memory_space<vmem>>, vector<10000x1xf32>
    tpu.vector_store %arg6[%swap3A, %swap3A_29], %add3A_28 {strides = array<i32>} : memref<10000x1xf32, #tpu.memory_space<vmem>>, vector<10000x1xf32>,
    return
  }
  func.func @transform_0(%arg0: i32) -> (i32, i32, i32) {
    %c0_i32 = arith.constant 0 : i32
    %c0_i32_0 = arith.constant 0 : i32
    %c0_i32_1 = arith.constant 0 : i32
    %c0_i32_2 = arith.constant 0 : i32
    return %c0_i32, %c0_i32_0, %c0_i32_1 : i32, i32, i32
  }
  func.func @transform_1(%arg0: i32) -> (i32, i32) {
    %c0_i32 = arith.constant 0 : i32
    %c0_i32_0 = arith.constant 0 : i32
    %c0_i32_1 = arith.constant 0 : i32
    return %c0_i32, %c0_i32_0 : i32, i32
  }
  func.func @transform_2(%arg0: i32) -> (i32, i32) {
    %c0_i32 = arith.constant 0 : i32
    %c0_i32_0 = arith.constant 0 : i32
    %c0_i32_1 = arith.constant 0 : i32
    return %c0_i32, %c0_i32_0 : i32, i32
  }
  func.func @transform_3(%arg0: i32) -> (i32, i32) {
    %c0_i32 = arith.constant 0 : i32
    %c0_i32_0 = arith.constant 0 : i32
    %c0_i32_1 = arith.constant 0 : i32
    return %c0_i32, %c0_i32_0 : i32, i32
  }
  func.func @transform_4(%arg0: i32) -> i32 {
    %c0_i32 = arith.constant 0 : i32
    %c0_i32_0 = arith.constant 0 : i32
    return %c0_i32 : i32
  }
  func.func @transform_5(%arg0: i32) -> (i32, i32) {
    %c0_i32 = arith.constant 0 : i32
    %c0_i32_0 = arith.constant 0 : i32
    %c0_i32_1 = arith.constant 0 : i32
    return %c0_i32, %c0_i32_0 : i32, i32
  }
}

</mosaic_0001>

<sc_bundles>
// kernel: kernel.6.cloned.1.call-start
scs
__scs_entry_jumppad:
0x0: {  	(pc) =	sbr.rel $0x88, $3  }
0x1: {  	(tag) =	ssettag $0x0;
	lr =	simm.s32 $0x1  }
0x2: {  	[smem:$0x3F9B] =	sst lr;
	_ =	strace $0xD0000000  }
0x3: {  	_ = 	snop  }
0x4: {  	_ = 	snop  }
0x5: {  	_ = 	snop  }
0x6: {  	_ = 	snop  }
0x7: {  	_ = 	snop  }
__scs_overlays_trampoline_lowered:
0x8: {  	[smem:$0x3FAA] =	sst s0  }
0x9: {  	[smem:$0x3FAB] =	sst s1  }
0xa: {  	[smem:$0x3FAC] =	sst s2  }
0xb: {  	[smem:$0x3FAD] =	sst s3  }
0xc: {  	[smem:$0x3FAE] =	sst s4  }
0xd: {  	[smem:$0x3FAF] =	sst s5  }
0xe: {  	[smem:$0x3FB0] =	sst s6  }
0xf: {  	[smem:$0x3FB1] =	sst s7  }
0x10: {  	[smem:$0x3FB2] =	sst s8  }
0x11: {  	[smem:$0x3FB3] =	sst s9;
	s0 =	simm.s32 @!p0 $0x0  }
0x12: {  	s1 =	sld [smem:$0x3F99];
	s0 =	simm.s32 @p0 $0x1  }
0x13: {  	[smem:$0x3FB4] =	sst s0;
	s0 =	simm.s32 @!p1 $0x0  }
0x14: {  	s2 =	sld [smem:$0x3F98];
	s0 =	simm.s32 @p1 $0x1  }
0x15: {  	[smem:$0x3FB5] =	sst s0;
	s0 =	simm.s32 @!p2 $0x0  }
0x16: {  	s3 =	sld [smem:$0x3FDB];
	s0 =	simm.s32 @p2 $0x1  }
0x17: {  	s4 =	simm.s32 $0x1BF5;
	[smem:$0x3FB7] =	sst s0  }
0x18: {  	s0 =	sld [smem:$0x3F9A];
	_ =	swait.ge [sflag:s4], $0x0  }
0x19: {  	s7 =	sld [smem:$0x3F9B]  }
0x1a: {  	s8 =	sadd.s32 $0xFFFFE003, lr  }
0x1b: {  	s9 =	sadd.s32 $0xFFFFFEF7, lr;
	s5 =	simm.s32 $0xFFFFFFFF;
	p2 =	slt.u32 s8, $0xFFFFF086  }
0x1c: {  	p1 =	slt.u32 s9, $0xF7A;
	s5 =	simm.s32 @!p2 $0x0  }
0x1d: {  	s5 =	simm.s32 @p1 $0x1;
	p0 =	seq.s32 s7, s2  }
0x1e: {  	s7 =	smul.u32 @!p0 $0xF7A, s2;
	p2 =	seq.s32 @!p0 s5, $0x0  }
0x1f: {  	s9 =	smul.u32 $0xF7A, s1;
	s8 =	simm.s32 @!p0 $0x1BF5;
	p2 =	por !p2, p0  }
0x20: {  	[sflag:s8] =	ssyncset.s32 @!p0 $0xFFFFF086;
	s6 =	sadd.s32 @!p0 s3, s7;
	s7 =	simm.s32 @!p0 $0x108  }
0x21: {  	s3 =	sadd.s32 s3, s9;
	s6 =	sadd.s32 @!p0 $0x88, s6;
	s7 =	simm.s32 @p2 $0x1082  }
0x22: {  	[simem:s7], [sflag:s8] =	dma.local @!p0 [hbm:s6], $0xF7A  }
0x23: {  	s9 =	sor.u32 $0xD0000000, s2;
	s6 =	simm.s32 $0x108;
	_ =	swait.ge @!p0 [sflag:s8], $0x0  }
0x24: {  	s3 =	sadd.s32 $0x88, s3;
	s6 =	simm.s32 @!p1 $0x1082;
	[sflag:s4] =	ssyncset.s32 $0xFFFFF086  }
0x25: {  	[simem:s6], [sflag:s4] =	dma.local [hbm:s3], $0xF7A  }
0x26: {  	[smem:$0x3F9B] =	sst s1;
	(tag) =	ssettag s2;
	_ =	strace s9  }
0x27: {  	s1 =	sld [smem:$0x3FAB]  }
0x28: {  	s2 =	sld [smem:$0x3FAC]  }
0x29: {  	s4 =	sld [smem:$0x3FAE]  }
0x2a: {  	p0 =	seq.s32 s5, $0x0;
	s5 =	sld [smem:$0x3FAF]  }
0x2b: {  	s6 =	sld [smem:$0x3FB0]  }
0x2c: {  	s7 =	sld [smem:$0x3FB1]  }
0x2d: {  	s3 =	simm.s32 $0x108;
	s8 =	sld [smem:$0x3FB2]  }
0x2e: {  	s3 =	simm.s32 @!p0 $0x1082;
	s9 =	sld [smem:$0x3FB3]  }
0x2f: {  	lr =	sadd.s32 s0, s3;
	s0 =	sld [smem:$0x3FAA]  }
0x30: {  	s3 =	sld [smem:$0x3FAD]  }
0x31: {  	[smem:$0x3FB6] =	sst s10  }
0x32: {  	s10 =	sld [smem:$0x3FB4];
	_ =	sdelay $0x3  }
0x33: {  	p0 =	seq.s32 s10, $0x1;
	s10 =	sld [smem:$0x3FB6];
	_ =	sdelay $0x3  }
0x34: {  	[smem:$0x3FB6] =	sst s10  }
0x35: {  	s10 =	sld [smem:$0x3FB5];
	_ =	sdelay $0x3  }
0x36: {  	p1 =	seq.s32 s10, $0x1;
	s10 =	sld [smem:$0x3FB6];
	_ =	sdelay $0x3  }
0x37: {  	[smem:$0x3FB6] =	sst s10  }
0x38: {  	s10 =	sld [smem:$0x3FB7]  }
0x39: {  	_ = 	snop;
	(pc) =	sbr.ind lr, $3  }
0x3a: {  	_ = 	snop  }
0x3b: {  	_ = 	snop  }
0x3c: {  	p2 =	seq.s32 s10, $0x1;
	s10 =	sld [smem:$0x3FB6]  }
0x3d: {  	_ =	shalt  }
0x3e: {  	_ =	shalt  }
0x3f: {  	_ =	shalt  }
0x40: {  	_ =	shalt  }
0x41: {  	_ =	shalt  }
0x42: {  	_ =	shalt  }
0x43: {  	_ =	shalt  }
0x44: {  	_ =	shalt  }
0x45: {  	_ =	shalt  }
0x46: {  	_ =	shalt  }
0x47: {  	_ =	shalt  }
0x48: {  	_ =	shalt  }
0x49: {  	_ =	shalt  }
0x4a: {  	_ =	shalt  }
0x4b: {  	_ =	shalt  }
0x4c: {  	_ =	shalt  }
0x4d: {  	_ =	shalt  }
0x4e: {  	_ =	shalt  }
0x4f: {  	_ =	shalt  }
0x50: {  	_ =	shalt  }
0x51: {  	_ =	shalt  }
0x52: {  	_ =	shalt  }
0x53: {  	_ =	shalt  }
0x54: {  	_ =	shalt  }
0x55: {  	_ =	shalt  }
0x56: {  	_ =	shalt  }
0x57: {  	_ =	shalt  }
0x58: {  	_ =	shalt  }
0x59: {  	_ =	shalt  }
0x5a: {  	_ =	shalt  }
0x5b: {  	_ =	shalt  }
0x5c: {  	_ =	shalt  }
0x5d: {  	_ =	shalt  }
0x5e: {  	_ =	shalt  }
0x5f: {  	_ =	shalt  }
0x60: {  	_ =	shalt  }
0x61: {  	_ =	shalt  }
0x62: {  	_ =	shalt  }
0x63: {  	_ =	shalt  }
0x64: {  	_ =	shalt  }
0x65: {  	_ =	shalt  }
0x66: {  	_ =	shalt  }
0x67: {  	_ =	shalt  }
0x68: {  	_ =	shalt  }
0x69: {  	_ =	shalt  }
0x6a: {  	_ =	shalt  }
0x6b: {  	_ =	shalt  }
0x6c: {  	_ =	shalt  }
0x6d: {  	_ =	shalt  }
0x6e: {  	_ =	shalt  }
0x6f: {  	_ =	shalt  }
0x70: {  	_ =	shalt  }
0x71: {  	_ =	shalt  }
0x72: {  	_ =	shalt  }
0x73: {  	_ =	shalt  }
0x74: {  	_ =	shalt  }
0x75: {  	_ =	shalt  }
0x76: {  	_ =	shalt  }
0x77: {  	_ =	shalt  }
0x78: {  	_ =	shalt  }
0x79: {  	_ =	shalt  }
0x7a: {  	_ =	shalt  }
0x7b: {  	_ =	shalt  }
0x7c: {  	_ =	shalt  }
0x7d: {  	_ =	shalt  }
0x7e: {  	_ =	shalt  }
0x7f: {  	_ =	shalt  }
0x80: {  	_ =	shalt  }
0x81: {  	_ =	shalt  }
0x82: {  	_ =	shalt  }
0x83: {  	_ =	shalt  }
0x84: {  	_ =	shalt  }
0x85: {  	_ =	shalt  }
0x86: {  	_ =	shalt  }
0x87: {  	_ =	shalt  }
.Lfunc_end0:
.L_simem_size_0:
called_computation_lowered:
.L_overlay_start_0:
0x88: {  	s2 =	sld [smem:$0x3FD9]  }
0x89: {  	s3 =	sld [smem:$0x3FFE];
	_ =	sdelay $0x1  }
0x8a: {  	s1 =	srdreg.scid  }
0x8b: {  	s0 =	sand.u32 $0x1, s1  }
0x8c: {  	s17 =	sshll.u32 s0, $0xA;
	s2 =	sadd.s32 s3, s2  }
0x8d: {  	s2 =	sadd.s32 s2, s17  }
0x8e: {  	[smem:$0x3FC2] =	sst s2  }
0x8f: {  	_ = 	snop  }
0x90: {  	s2 =	sld [smem:$0x3FC9];
	(tm) =	ssettm $0x1  }
0x91: {  	s18 =	sld [smem:$0x3FFB];
	_ =	sdelay $0x3  }
0x92: {  	_ =	strace s18  }
0x93: {  	s3 =	sld [smem:$0x3FFC];
	_ =	sdelay $0x3  }
0x94: {  	_ =	strace s3  }
0x95: {  	s3 =	sld [smem:$0x3FFD];
	_ =	sdelay $0x3  }
0x96: {  	_ =	strace s3  }
0x97: {  	_ =	strace $0x8FFFFFFF  }
0x98: {  	s19 =	sld [smem:$0x3FDB];
	_ =	sdelay $0x1  }
0x99: {  	s4 =	simm.s32 $_scs_section_size  }
0x9a: {  	s5 =	simm.s32 $_size__tile_overlayer_lowered;
	s6 =	simm.s32 $_tile_overlayer_lowered  }
0x9b: {  	s22 =	simm.s32 $0x1BFF;
	s21 =	sshll.u32 s6, $0x1;
	s3 =	sadd.s32 s4, s19  }
0x9c: {  	s7 =	simm.s32 $0x0;
	s20 =	sshll.u32 s5, $0x1;
	s5 =	sadd.s32 s21, s3  }
0x9d: {  	[timem:s7], [sflag:s22] =	dma.local [hbm:s5], s20  }
0x9e: {  	_ =	swait.ge [sflag:s22], s20  }
0x9f: {  	s4 =	ssub.s32 $0x0, s20;
	[sflag:s22] =	ssyncset.done $0x0  }
0xa0: {  	[sflag:s22] =	ssyncadd.s32 s4;
	_ =	sdelay $0x1  }
0xa1: {  	s23 =	simm.s32 $0x1B8B  }
0xa2: {  	_ =	swait.ge [sflag:s23], $0x1  }
0xa3: {  	[sflag:s23] =	ssyncset.done $0x0  }
0xa4: {  	s25 =	simm.s32 $0x1B8E;
	s24 =	sld [smem:$0x3FFE];
	[sflag:s23] =	ssyncadd.s32 $0xFFFFFFFF  }
0xa5: {  	s26 =	simm.s32 $execute0_lowered;
	[smem:$0x3FD2] =	sst s25  }
0xa6: {  	s5 =	sshll.u32 s26, $0x1;
	_ =	strace $0x80000046;
	[dreg:$0x1] =	wrdreg $0xFFFFFFFF  }
0xa7: {  	s28 =	simm.s32 $_size_execute0_lowered;
	s3 =	sadd.s32 s3, s5;
	[dreg:$0x0] =	wrdreg $0x0  }
0xa8: {  	s5 =	sshll.u32 s28, $0x1;
	[dreg:$0x2] =	wrdreg s3  }
0xa9: {  	[dreg:$0x3] =	wrdreg s5  }
0xaa: {  	[dreg:$0x4] =	wrdreg $0xC0  }
0xab: {  	_ =	task [dreg:s7], $0x5FFFF  }
0xac: {  	[dreg:$0x1] =	wrdreg $0xFFFFFFFF  }
0xad: {  	[dreg:$0x0] =	wrdreg $0x60  }
0xae: {  	[dreg:$0x2] =	wrdreg s2  }
0xaf: {  	[dreg:$0x3] =	wrdreg s24  }
0xb0: {  	[dreg:$0x4] =	wrdreg $0xB9800  }
0xb1: {  	[dreg:$0x5] =	wrdreg $0x9  }
0xb2: {  	_ =	task.clear_ibuf [dreg:s7], $0x6FFFF;
	_ =	strace $0x90000046  }
0xb3: {  	s29 =	simm.s32 $0x9;
	_ =	strace $0x80000048  }
0xb4: {  	_ =	swait.ge [sflag:s29], $0x1  }
0xb5: {  	[sflag:s29] =	ssyncadd.s32 $0xFFFFFFFF  }
0xb6: {  	_ =	strace $0x90000048  }
0xb7: {  	_ =	sfence  }
0xb8: {  	s30 =	sld [smem:$0x0];
	_ =	sdelay $0x2  }
0xb9: {  	s31 =	sshll.u32 s1, $0xD;
	s1 =	sshrl.u32 s1, $0x2  }
0xba: {  	s3 =	sand.u32 $0x4000, s31;
	s1 =	sadd.s32 s1, s30  }
0xbb: {  	s0 =	sor.u32 s3, s0;
	s1 =	sshll.u32 s1, $0x11  }
0xbc: {  	s0 =	sor.u32 s1, s0  }
0xbd: {  	s0 =	sadd.s32 $0x8F2B, s0  }
0xbe: {  	[sflag:s0] =	ssyncadd.remote.s32 $0x1  }
0xbf: {  	_ =	sfence.sel $0xFFFF  }
0xc0: {  	[dreg:$0x0] =	wrdreg $0xFFFFFFFF;
	(pc) =	sbr.abs _section_cstart, $3  }
0xc1: {  	[dreg:$0x1] =	wrdreg $0xFFFFFFFF  }
0xc2: {  	_ =	task.clear_ibuf [dreg:s7], $0x2FFFF;
	_ =	strace $0x9FFFFFFF  }
0xc3: {  	(tm) =	ssettm $0x7FFFFFFF  }
tec
execute0_lowered:
.L_overlay_start_1:
0x0: {  	(tag) =	ssettag $0x1  }
0x1: {  	s1 =	rddreg [dreg:$0x0]  }
0x2: {  	s0 =	rddreg [dreg:$0x1]  }
0x3: {  	s3 =	rddreg [dreg:$0x2]  }
0x4: {  	s2 =	srdreg.scid;
	s10 =	stileid.u32  }
0x5: {  	s4 =	simm.s32 $0x0;
	s28 =	simm.s32 $0x4080;
	s30 =	simm.s32 $0x6980  }
0x6: {  	s31 =	simm.s32 $0x4100;
	s29 =	simm.s32 $0x2;
	s15 =	smul.u32 $0x50000, s10  }
0x7: {  	s11 =	simm.s32 $0x0;
	s2 =	sand.u32 $0x1, s2;
	s16 =	smul.u32 $0x2800, s10  }
0x8: {  	s5 =	sshll.u32 s10, $0x1;
	[smem:$0x7FF] =	sst s4;
	s10 =	smul.u32 $0x4E20, s10  }
0x9: {  	s5 =	sor.u32 s2, s5;
	_ =	strace $0x80000047;
	s7 =	smul.u32 $0x28000, s2  }
0xa: {  	s8 =	ssub.s32 $0x2, s2;
	s2 =	smul.u32 $0x2710, s2;
	s6 =	sshll.u32 s5, $0xB  }
0xb: {  	s9 =	smul.u32 $0x2710, s5;
	s5 =	sadd.s32 $0xC00, s0;
	s13 =	sshrl.u32 s8, $0x1  }
0xc: {  	s17 =	sshrl.u32 s15, $0x2;
	s6 =	sadd.s32 s6, s0;
	s0 =	sadd.s32 s7, s0  }
0xd: {  	s7 =	ssub.s32 s8, s13;
	s2 =	sadd.s32 s2, s10;
	s10 =	simm.s32 $0x6  }
0xe: {  	s14 =	sshrl.u32 s9, $0x3;
	s6 =	sadd.s32 $0xAA00, s6;
	s0 =	sadd.s32 $0x1AA00, s0  }
0xf: {  	s9 =	sadd.s32 s17, s3;
	s7 =	smax.u32 s7, $0x1;
	[dreg:$0x4] =	wrdreg s6  }
0x10: {  	s24 =	sadd.s32 $0x140, s2;
	s8 =	sadd.s32 s5, s14;
	[dreg:$0x7] =	wrdreg s7  }
0x11: {  	s25 =	sadd.s32 $0xA0, s2;
	s18 =	sadd.s32 $0x2800, s9;
	[dreg:$0x5] =	wrdreg s8  }
0x12: {  	s19 =	sadd.s32 $0x5000, s9;
	s20 =	sadd.s32 $0x7800, s9;
	[dreg:$0x8] =	wrdreg s18  }
0x13: {  	s21 =	sadd.s32 $0xA000, s9;
	s22 =	sadd.s32 $0xC800, s9;
	[dreg:$0x9] =	wrdreg s19  }
0x14: {  	s23 =	sadd.s32 $0xF000, s9;
	s7 =	sshrl.u32 s24, $0x3;
	[dreg:$0xa] =	wrdreg s20  }
0x15: {  	s26 =	sshrl.u32 s25, $0x3;
	s24 =	sadd.s32 s16, s0;
	[dreg:$0xb] =	wrdreg s21  }
0x16: {  	s25 =	simm.s32 $0x4000;
	s0 =	simm.s32 $0x9180;
	[dreg:$0xc] =	wrdreg s22  }
0x17: {  	s6 =	simm.s32 $0x5;
	s8 =	sadd.s32 $0xA, s8;
	[dreg:$0xd] =	wrdreg s23  }
0x18: {  	s18 =	sadd.s32 s7, s5;
	s19 =	sadd.s32 $0xF0, s2;
	s20 =	sadd.s32 s26, s5  }
0x19: {  	s21 =	simm.s32 $0x4180;
	s22 =	simm.s32 $0x7;
	s23 =	simm.s32 $0x1  }
0x1a: {  	s26 =	simm.s32 $0x50;
	[dreg:$0x6] =	wrdreg s8;
	s8 =	sadd.s32 $0x11800, s9  }
0x1b: {  	v0 =	vimm.f32 $0.0e+00;
	s2 =	simm.s32 $0x4;
	[dreg:$0xe] =	wrdreg s8;
	s8 =	simm.s32 $0x3  }
.LBB2_1:
0x1c: {  	s7 =	rddreg [dreg:$0x4]  }
0x1d: {  	[tilespmem:s4], [sflag:$0x1] =	stream.linear.gather [hbm4b:s7+s4], $0x3E80, $0x38;
	[tilespmem:$0x1F980] =	vst v63  }
0x1e: {  	s12 =	simm.s32 $0x3C0;
	s7 =	simm.s32 $0x70  }
.LBB2_2:
0x1f: {  	p0 =	sne.s32 s12, $0x9FC0;
	[tilespmem:s7+$0x4180] =	vst v0  }
0x20: {  	[tilespmem:s7+$0x4110] =	vst v0  }
0x21: {  	[tilespmem:s7+$0x4120] =	vst v0  }
.Ltmp0:
0x22: {  	[tilespmem:s7+$0x4130] =	vst v0;
	(pc) =	sbr.rel @p0 .LBB2_2-.Ltmp0, $4  }
0x23: {  	[tilespmem:s7+$0x4140] =	vst v0  }
0x24: {  	[tilespmem:s7+$0x4150] =	vst v0  }
0x25: {  	[tilespmem:s7+$0x4160] =	vst v0  }
0x26: {  	[tilespmem:s7+$0x4170] =	vst v0;
	s7 =	sshra.s32 s12, $0x2;
	s12 =	sadd.s32 $0x200, s12  }
0x27: {  	[tilespmem:s7+$0x4180] =	vst v0  }
0x28: {  	[tilespmem:s7+$0x4110] =	vst v0  }
0x29: {  	[tilespmem:s7+$0x4120] =	vst v0  }
0x2a: {  	[tilespmem:s7+$0x4130] =	vst v0  }
0x2b: {  	[tilespmem:s7+$0x4140] =	vst v0  }
0x2c: {  	[tilespmem:s7+$0x4150] =	vst v0  }
0x2d: {  	[tilespmem:s7+$0x4160] =	vst v0  }
0x2e: {  	[tilespmem:s7+$0x4170] =	vst v0  }
0x2f: {  	[spmem:s9] =	stream.linear.scatter [tilespmem:s21], [sflag:$0x7], $0x2800, $0x38;
	[tilespmem:$0x1F980] =	vst v63  }
0x30: {  	_ =	swait.ge [sflag:s22], $0x2800  }
0x31: {  	[sflag:s22] =	ssyncset.done $0x0  }
0x32: {  	s15 =	rddreg [dreg:$0x8];
	[sflag:s22] =	ssyncadd.s32 $0xFFFFD800  }
0x33: {  	[spmem:s15] =	stream.linear.scatter [tilespmem:s21], [sflag:$0x7], $0x2800, $0x38;
	[tilespmem:$0x1F980] =	vst v63  }
0x34: {  	_ =	swait.ge [sflag:s22], $0x2800  }
0x35: {  	[sflag:s22] =	ssyncset.done $0x0  }
0x36: {  	s16 =	rddreg [dreg:$0x9];
	[sflag:s22] =	ssyncadd.s32 $0xFFFFD800  }
0x37: {  	[spmem:s16] =	stream.linear.scatter [tilespmem:s21], [sflag:$0x7], $0x2800, $0x38;
	[tilespmem:$0x1F980] =	vst v63  }
0x38: {  	_ =	swait.ge [sflag:s22], $0x2800  }
0x39: {  	[sflag:s22] =	ssyncset.done $0x0  }
0x3a: {  	s17 =	rddreg [dreg:$0xa];
	[sflag:s22] =	ssyncadd.s32 $0xFFFFD800  }
0x3b: {  	[spmem:s17] =	stream.linear.scatter [tilespmem:s21], [sflag:$0x7], $0x2800, $0x38;
	[tilespmem:$0x1F980] =	vst v63  }
0x3c: {  	_ =	swait.ge [sflag:s22], $0x2800  }
0x3d: {  	[sflag:s22] =	ssyncset.done $0x0  }
0x3e: {  	s12 =	rddreg [dreg:$0xb];
	[sflag:s22] =	ssyncadd.s32 $0xFFFFD800  }
0x3f: {  	[spmem:s12] =	stream.linear.scatter [tilespmem:s21], [sflag:$0x7], $0x2800, $0x38;
	[tilespmem:$0x1F980] =	vst v63  }
0x40: {  	_ =	swait.ge [sflag:s22], $0x2800  }
0x41: {  	[sflag:s22] =	ssyncset.done $0x0  }
0x42: {  	s13 =	rddreg [dreg:$0xc];
	[sflag:s22] =	ssyncadd.s32 $0xFFFFD800  }
0x43: {  	[spmem:s13] =	stream.linear.scatter [tilespmem:s21], [sflag:$0x7], $0x2800, $0x38;
	[tilespmem:$0x1F980] =	vst v63  }
0x44: {  	_ =	swait.ge [sflag:s22], $0x2800  }
0x45: {  	[sflag:s22] =	ssyncset.done $0x0  }
0x46: {  	s14 =	rddreg [dreg:$0xd];
	[sflag:s22] =	ssyncadd.s32 $0xFFFFD800  }
0x47: {  	[spmem:s14] =	stream.linear.scatter [tilespmem:s21], [sflag:$0x7], $0x2800, $0x38;
	[tilespmem:$0x1F980] =	vst v63  }
0x48: {  	_ =	swait.ge [sflag:s22], $0x2800  }
0x49: {  	[sflag:s22] =	ssyncset.done $0x0  }
0x4a: {  	s15 =	rddreg [dreg:$0xe];
	[sflag:s22] =	ssyncadd.s32 $0xFFFFD800  }
0x4b: {  	[spmem:s15] =	stream.linear.scatter [tilespmem:s21], [sflag:$0x7], $0x2800, $0x38;
	[tilespmem:$0x1F980] =	vst v63  }
0x4c: {  	_ =	swait.ge [sflag:s22], $0x2800  }
0x4d: {  	[sflag:s22] =	ssyncset.done $0x0  }
0x4e: {  	[sflag:s22] =	ssyncadd.s32 $0xFFFFD800  }
0x4f: {  	_ =	swait.ge [sflag:s23], $0x3E80  }
0x50: {  	[sflag:s23] =	ssyncset.done $0x0  }
0x51: {  	[sflag:s23] =	ssyncadd.s32 $0xFFFFC180  }
0x52: {  	[bflag:$0x0] =	sbarrier.arrive $0xFFFF  }
0x53: {  	s16 =	simm.s32 $0x0;
	s12 =	rddreg [dreg:$0x5]  }
0x54: {  	[tilespmem:s25], [sflag:$0x4] =	stream.linear.gather [hbm4b:s12+s16], $0x50, $0x38;
	[tilespmem:$0x1F980] =	vst v63  }
0x55: {  	_ = 	snop  }
0x56: {  	[tilespmem:s21], [sflag:$0x1] =	stream.indirect.gather [hbm4b:s1+s26], $0x80, s16, s26, $0xb8;
	[tilespmem:$0x1F980] =	vst v63  }
0x57: {  	s17 =	rddreg [dreg:$0x6]  }
0x58: {  	[tilespmem:s28], [sflag:$0x5] =	stream.linear.gather [hbm4b:s17+s16], $0x50, $0x38;
	[tilespmem:$0x1F980] =	vst v63  }
0x59: {  	s13 =	simm.s32 $0x80  }
0x5a: {  	[tilespmem:s30], [sflag:$0x2] =	stream.indirect.gather [hbm4b:s1+s26], $0x80, s13, s26, $0xb8;
	[tilespmem:$0x1F980] =	vst v63  }
0x5b: {  	_ = 	snop  }
0x5c: {  	[tilespmem:s31], [sflag:$0x6] =	stream.linear.gather [hbm4b:s20+s4], $0x50, $0x38;
	[tilespmem:$0x1F980] =	vst v63  }
0x5d: {  	s14 =	simm.s32 $0x100  }
0x5e: {  	[tilespmem:s0], [sflag:$0x3] =	stream.indirect.gather [hbm4b:s1+s26], $0x80, s14, s26, $0xb8;
	[tilespmem:$0x1F980] =	vst v63  }
0x5f: {  	_ =	swait.ge [sflag:s23], $0x2800  }
0x60: {  	[sflag:s23] =	ssyncset.done $0x0  }
0x61: {  	[sflag:s23] =	ssyncadd.s32 $0xFFFFD800  }
0x62: {  	_ =	swait.ge [sflag:s2], $0x50  }
0x63: {  	[sflag:s2] =	ssyncset.done $0x0  }
0x64: {  	[sflag:s2] =	ssyncadd.s32 $0xFFFFFFB0  }
0x65: {  	[spmem:s3] =	stream.indirect.scatter.add.f32 [tilespmem:s21], [sflag:$0x7], $0x80, s25, s26, $0xb8;
	[tilespmem:$0x1F980] =	vst v63  }
0x66: {  	_ =	swait.ge [sflag:s22], $0x2800  }
0x67: {  	s15 =	sshrl.u32 s19, $0x3;
	[sflag:s22] =	ssyncset.done $0x0  }
0x68: {  	s7 =	sadd.s32 s5, s15;
	[sflag:s22] =	ssyncadd.s32 $0xFFFFD800  }
0x69: {  	[tilespmem:s25], [sflag:$0x4] =	stream.linear.gather [hbm4b:s7+s4], $0x50, $0x38;
	[tilespmem:$0x1F980] =	vst v63  }
0x6a: {  	s16 =	simm.s32 $0x180  }
0x6b: {  	[tilespmem:s21], [sflag:$0x1] =	stream.indirect.gather [hbm4b:s1+s26], $0x80, s16, s26, $0xb8;
	[tilespmem:$0x1F980] =	vst v63  }
0x6c: {  	_ =	swait.ge [sflag:s29], $0x2800  }
0x6d: {  	[sflag:s29] =	ssyncset.done $0x0  }
0x6e: {  	[sflag:s29] =	ssyncadd.s32 $0xFFFFD800  }
0x6f: {  	_ =	swait.ge [sflag:s6], $0x50  }
0x70: {  	[sflag:s6] =	ssyncset.done $0x0  }
0x71: {  	[sflag:s6] =	ssyncadd.s32 $0xFFFFFFB0  }
0x72: {  	[spmem:s3] =	stream.indirect.scatter.add.f32 [tilespmem:s30], [sflag:$0x7], $0x80, s28, s26, $0xb8;
	[tilespmem:$0x1F980] =	vst v63  }
0x73: {  	_ =	swait.ge [sflag:s22], $0x2800  }
0x74: {  	[sflag:s22] =	ssyncset.done $0x0  }
0x75: {  	[sflag:s22] =	ssyncadd.s32 $0xFFFFD800  }
0x76: {  	[tilespmem:s28], [sflag:$0x5] =	stream.linear.gather [hbm4b:s18+s4], $0x50, $0x38;
	[tilespmem:$0x1F980] =	vst v63  }
0x77: {  	s17 =	simm.s32 $0x200  }
0x78: {  	[tilespmem:s30], [sflag:$0x2] =	stream.indirect.gather [hbm4b:s1+s26], $0x80, s17, s26, $0xb8;
	[tilespmem:$0x1F980] =	vst v63  }
0x79: {  	_ =	swait.ge [sflag:s8], $0x2800  }
0x7a: {  	[sflag:s8] =	ssyncset.done $0x0  }
0x7b: {  	[sflag:s8] =	ssyncadd.s32 $0xFFFFD800  }
0x7c: {  	_ =	swait.ge [sflag:s10], $0x50  }
0x7d: {  	[sflag:s10] =	ssyncset.done $0x0  }
0x7e: {  	[sflag:s10] =	ssyncadd.s32 $0xFFFFFFB0  }
0x7f: {  	[spmem:s3] =	stream.indirect.scatter.add.f32 [tilespmem:s0], [sflag:$0x7], $0x80, s31, s26, $0xb8;
	[tilespmem:$0x1F980] =	vst v63  }
0x80: {  	s12 =	sadd.s32 $0x1E, s18;
	s13 =	sadd.s32 $0xF0, s19;
	_ =	swait.ge [sflag:s22], $0x2800  }
0x81: {  	s14 =	simm.s32 $0x600;
	s7 =	sadd.s32 $0x1E, s20;
	[sflag:s22] =	ssyncset.done $0x0  }
.LBB2_4:
0x82: {  	s15 =	smov.u32 s14  }
0x83: {  	s16 =	sshra.s32 s14, $0x2;
	[sflag:s22] =	ssyncadd.s32 $0xFFFFD800;
	s15 =	sadd.s32 $0x600, s14  }
0x84: {  	[tilespmem:s31], [sflag:$0x6] =	stream.linear.gather [hbm4b:s7+s4], $0x50, $0x38;
	[tilespmem:$0x1F980] =	vst v63  }
0x85: {  	p0 =	sne.s32 s14, $0xF000;
	s17 =	sadd.s32 $0x100, s16  }
0x86: {  	[tilespmem:s0], [sflag:$0x3] =	stream.indirect.gather [hbm4b:s1+s26], $0x80, s17, s26, $0xb8;
	[tilespmem:$0x1F980] =	vst v63  }
0x87: {  	_ =	swait.ge [sflag:s23], $0x2800  }
0x88: {  	[sflag:s23] =	ssyncset.done $0x0  }
0x89: {  	[sflag:s23] =	ssyncadd.s32 $0xFFFFD800  }
0x8a: {  	_ =	swait.ge [sflag:s2], $0x50  }
0x8b: {  	[sflag:s2] =	ssyncset.done $0x0  }
0x8c: {  	[sflag:s2] =	ssyncadd.s32 $0xFFFFFFB0  }
0x8d: {  	[spmem:s3] =	stream.indirect.scatter.add.f32 [tilespmem:s21], [sflag:$0x7], $0x80, s25, s26, $0xb8;
	[tilespmem:$0x1F980] =	vst v63  }
0x8e: {  	_ =	swait.ge [sflag:s22], $0x2800  }
0x8f: {  	s14 =	sshrl.u32 s13, $0x3;
	[sflag:s22] =	ssyncset.done $0x0  }
0x90: {  	s14 =	sadd.s32 s5, s14;
	[sflag:s22] =	ssyncadd.s32 $0xFFFFD800  }
0x91: {  	[tilespmem:s25], [sflag:$0x4] =	stream.linear.gather [hbm4b:s14+s4], $0x50, $0x38;
	[tilespmem:$0x1F980] =	vst v63  }
0x92: {  	s14 =	sadd.s32 $0x180, s16  }
0x93: {  	[tilespmem:s21], [sflag:$0x1] =	stream.indirect.gather [hbm4b:s1+s26], $0x80, s14, s26, $0xb8;
	[tilespmem:$0x1F980] =	vst v63  }
0x94: {  	_ =	swait.ge [sflag:s29], $0x2800  }
0x95: {  	[sflag:s29] =	ssyncset.done $0x0  }
0x96: {  	[sflag:s29] =	ssyncadd.s32 $0xFFFFD800  }
0x97: {  	_ =	swait.ge [sflag:s6], $0x50  }
0x98: {  	[sflag:s6] =	ssyncset.done $0x0  }
0x99: {  	[sflag:s6] =	ssyncadd.s32 $0xFFFFFFB0  }
0x9a: {  	[spmem:s3] =	stream.indirect.scatter.add.f32 [tilespmem:s30], [sflag:$0x7], $0x80, s28, s26, $0xb8;
	[tilespmem:$0x1F980] =	vst v63  }
0x9b: {  	_ =	swait.ge [sflag:s22], $0x2800  }
0x9c: {  	[sflag:s22] =	ssyncset.done $0x0  }
0x9d: {  	[sflag:s22] =	ssyncadd.s32 $0xFFFFD800  }
0x9e: {  	[tilespmem:s28], [sflag:$0x5] =	stream.linear.gather [hbm4b:s12+s4], $0x50, $0x38;
	[tilespmem:$0x1F980] =	vst v63  }
0x9f: {  	s14 =	sadd.s32 $0x200, s16  }
0xa0: {  	[tilespmem:s30], [sflag:$0x2] =	stream.indirect.gather [hbm4b:s1+s26], $0x80, s14, s26, $0xb8;
	[tilespmem:$0x1F980] =	vst v63  }
0xa1: {  	_ =	swait.ge [sflag:s8], $0x2800  }
0xa2: {  	[sflag:s8] =	ssyncset.done $0x0  }
0xa3: {  	[sflag:s8] =	ssyncadd.s32 $0xFFFFD800  }
0xa4: {  	_ =	swait.ge [sflag:s10], $0x50  }
.Ltmp1:
0xa5: {  	[sflag:s10] =	ssyncset.done $0x0;
	(pc) =	sbr.rel @p0 .LBB2_4-.Ltmp1, $4  }
0xa6: {  	[sflag:s10] =	ssyncadd.s32 $0xFFFFFFB0  }
0xa7: {  	[spmem:s3] =	stream.indirect.scatter.add.f32 [tilespmem:s0], [sflag:$0x7], $0x80, s31, s26, $0xb8;
	[tilespmem:$0x1F980] =	vst v63  }
0xa8: {  	s13 =	sadd.s32 $0xF0, s13;
	s7 =	sadd.s32 $0x1E, s7;
	_ =	swait.ge [sflag:s22], $0x2800  }
0xa9: {  	s12 =	sadd.s32 $0x1E, s12;
	s14 =	smov.u32 s15;
	[sflag:s22] =	ssyncset.done $0x0  }
0xaa: {  	[sflag:s22] =	ssyncadd.s32 $0xFFFFD800  }
0xab: {  	_ =	swait.ge [sflag:s23], $0x2800  }
0xac: {  	[sflag:s23] =	ssyncset.done $0x0  }
0xad: {  	[sflag:s23] =	ssyncadd.s32 $0xFFFFD800  }
0xae: {  	_ =	swait.ge [sflag:s2], $0x50  }
0xaf: {  	[sflag:s2] =	ssyncset.done $0x0  }
0xb0: {  	[sflag:s2] =	ssyncadd.s32 $0xFFFFFFB0  }
0xb1: {  	[spmem:s3] =	stream.indirect.scatter.add.f32 [tilespmem:s21], [sflag:$0x7], $0x80, s25, s26, $0xb8;
	[tilespmem:$0x1F980] =	vst v63  }
0xb2: {  	_ =	swait.ge [sflag:s22], $0x2800  }
0xb3: {  	[sflag:s22] =	ssyncset.done $0x0  }
0xb4: {  	[sflag:s22] =	ssyncadd.s32 $0xFFFFD800  }
0xb5: {  	_ =	swait.ge [sflag:s29], $0x2800  }
0xb6: {  	[sflag:s29] =	ssyncset.done $0x0  }
0xb7: {  	[sflag:s29] =	ssyncadd.s32 $0xFFFFD800  }
0xb8: {  	_ =	swait.ge [sflag:s6], $0x50  }
0xb9: {  	[sflag:s6] =	ssyncset.done $0x0  }
0xba: {  	[sflag:s6] =	ssyncadd.s32 $0xFFFFFFB0  }
0xbb: {  	[spmem:s3] =	stream.indirect.scatter.add.f32 [tilespmem:s30], [sflag:$0x7], $0x80, s28, s26, $0xb8;
	[tilespmem:$0x1F980] =	vst v63  }
0xbc: {  	_ =	swait.ge [sflag:s22], $0x2800  }
0xbd: {  	s7 =	stileid.u32;
	[sflag:s22] =	ssyncset.done $0x0  }
0xbe: {  	s7 =	sshll.u32 s7, $0x6;
	[sflag:s22] =	ssyncadd.s32 $0xFFFFD800  }
0xbf: {  	s12 =	sshrl.u32 s9, $0x3;
	s7 =	sor.u32 $0x1C07, s7;
	[bflag:$0x0] =	sbarrier.arrive $0xFFFF  }
0xc0: {  	[hbm:s24], [sflag:s7] =	dma.local [spmem:s12], $0x2800  }
0xc1: {  	_ =	swait.ge [sflag:s22], $0x2800  }
0xc2: {  	s11 =	sadd.s32 $0x1, s11;
	s17 =	rddreg [dreg:$0x7]  }
0xc3: {  	p0 =	sne.s32 s11, s17  }
.Ltmp2:
0xc4: {  	_ = 	snop;
	(pc) =	sbr.rel @p0 .LBB2_1-.Ltmp2, $3  }
0xc5: {  	_ =	sdelay $0x1  }
0xc6: {  	[sflag:s22] =	ssyncset.done $0x0  }
0xc7: {  	[sflag:s22] =	ssyncadd.s32 $0xFFFFD800  }
0xc8: {  	_ =	sfence.sel $0x180000  }
0xc9: {  	[bflag:$0x0] =	sbarrier.arrive $0xFFFF  }
0xca: {  	_ =	strace $0x90000047  }
0xcb: {  	s0 =	stileid.u32;
	[bflag:$0x2] =	sbarrier.arrive $0xFFFF  }
0xcc: {  	p0 =	sne.s32 s0, $0x0;
	s0 =	rddreg [dreg:$0x3]  }
0xcd: {  	s0 =	sadd.s32 @!p0 $0x100000, s0  }
0xce: {  	[sflag:s0] =	ssyncadd.tile.s32 @!p0 $0x1;
	_ =	shalt  }
.Lfunc_end2:
_tile_overlayer_lowered:
.L_overlay_start_2:
0xcf: {  	(tag) =	ssettag $0x2  }
0xd0: {  	s0 =	rddreg [dreg:$0x0];
	s2 =	stileid.u32  }
0xd1: {  	s1 =	rddreg [dreg:$0x1];
	p0 =	sne.s32 s2, $0x0  }
0xd2: {  	s3 =	rddreg [dreg:$0x2];
	[bflag:$0x3] =	sbarrier.arrive $0xFFFF;
	s2 =	simm.s32 @!p0 $0x1C07  }
0xd3: {  	[timem:s3], [sflag:s2] =	dma.local @!p0 [hbm:s0], s1  }
0xd4: {  	s0 =	simm.s32 @!p0 $0x7  }
0xd5: {  	_ =	swait.ge @!p0 [sflag:s0], s1  }
0xd6: {  	s1 =	ssub.s32 @!p0 $0x0, s1;
	[sflag:s0] =	ssyncset.done @!p0 $0x0  }
0xd7: {  	[sflag:s0] =	ssyncadd.s32 @!p0 s1  }
0xd8: {  	[bflag:$0x3] =	sbarrier.arrive $0xFFFF  }
0xd9: {  	_ =	shalt  }

// kernel: kernel.9.cloned.1.call-start
scs
__scs_entry_jumppad:
0x0: {  	(pc) =	sbr.rel $0x88, $3  }
0x1: {  	(tag) =	ssettag $0x0;
	lr =	simm.s32 $0x1  }
0x2: {  	[smem:$0x3F9B] =	sst lr;
	_ =	strace $0xD0000000  }
0x3: {  	_ = 	snop  }
0x4: {  	_ = 	snop  }
0x5: {  	_ = 	snop  }
0x6: {  	_ = 	snop  }
0x7: {  	_ = 	snop  }
__scs_overlays_trampoline_lowered:
0x8: {  	[smem:$0x3FAA] =	sst s0  }
0x9: {  	[smem:$0x3FAB] =	sst s1  }
0xa: {  	[smem:$0x3FAC] =	sst s2  }
0xb: {  	[smem:$0x3FAD] =	sst s3  }
0xc: {  	[smem:$0x3FAE] =	sst s4  }
0xd: {  	[smem:$0x3FAF] =	sst s5  }
0xe: {  	[smem:$0x3FB0] =	sst s6  }
0xf: {  	[smem:$0x3FB1] =	sst s7  }
0x10: {  	[smem:$0x3FB2] =	sst s8  }
0x11: {  	[smem:$0x3FB3] =	sst s9;
	s0 =	simm.s32 @!p0 $0x0  }
0x12: {  	s1 =	sld [smem:$0x3F99];
	s0 =	simm.s32 @p0 $0x1  }
0x13: {  	[smem:$0x3FB4] =	sst s0;
	s0 =	simm.s32 @!p1 $0x0  }
0x14: {  	s2 =	sld [smem:$0x3F98];
	s0 =	simm.s32 @p1 $0x1  }
0x15: {  	[smem:$0x3FB5] =	sst s0;
	s0 =	simm.s32 @!p2 $0x0  }
0x16: {  	s3 =	sld [smem:$0x3FDB];
	s0 =	simm.s32 @p2 $0x1  }
0x17: {  	s4 =	simm.s32 $0x1BF5;
	[smem:$0x3FB7] =	sst s0  }
0x18: {  	s0 =	sld [smem:$0x3F9A];
	_ =	swait.ge [sflag:s4], $0x0  }
0x19: {  	s7 =	sld [smem:$0x3F9B]  }
0x1a: {  	s8 =	sadd.s32 $0xFFFFE003, lr  }
0x1b: {  	s9 =	sadd.s32 $0xFFFFFEF7, lr;
	s5 =	simm.s32 $0xFFFFFFFF;
	p2 =	slt.u32 s8, $0xFFFFF086  }
0x1c: {  	p1 =	slt.u32 s9, $0xF7A;
	s5 =	simm.s32 @!p2 $0x0  }
0x1d: {  	s5 =	simm.s32 @p1 $0x1;
	p0 =	seq.s32 s7, s2  }
0x1e: {  	s7 =	smul.u32 @!p0 $0xF7A, s2;
	p2 =	seq.s32 @!p0 s5, $0x0  }
0x1f: {  	s9 =	smul.u32 $0xF7A, s1;
	s8 =	simm.s32 @!p0 $0x1BF5;
	p2 =	por !p2, p0  }
0x20: {  	[sflag:s8] =	ssyncset.s32 @!p0 $0xFFFFF086;
	s6 =	sadd.s32 @!p0 s3, s7;
	s7 =	simm.s32 @!p0 $0x108  }
0x21: {  	s3 =	sadd.s32 s3, s9;
	s6 =	sadd.s32 @!p0 $0x88, s6;
	s7 =	simm.s32 @p2 $0x1082  }
0x22: {  	[simem:s7], [sflag:s8] =	dma.local @!p0 [hbm:s6], $0xF7A  }
0x23: {  	s9 =	sor.u32 $0xD0000000, s2;
	s6 =	simm.s32 $0x108;
	_ =	swait.ge @!p0 [sflag:s8], $0x0  }
0x24: {  	s3 =	sadd.s32 $0x88, s3;
	s6 =	simm.s32 @!p1 $0x1082;
	[sflag:s4] =	ssyncset.s32 $0xFFFFF086  }
0x25: {  	[simem:s6], [sflag:s4] =	dma.local [hbm:s3], $0xF7A  }
0x26: {  	[smem:$0x3F9B] =	sst s1;
	(tag) =	ssettag s2;
	_ =	strace s9  }
0x27: {  	s1 =	sld [smem:$0x3FAB]  }
0x28: {  	s2 =	sld [smem:$0x3FAC]  }
0x29: {  	s4 =	sld [smem:$0x3FAE]  }
0x2a: {  	p0 =	seq.s32 s5, $0x0;
	s5 =	sld [smem:$0x3FAF]  }
0x2b: {  	s6 =	sld [smem:$0x3FB0]  }
0x2c: {  	s7 =	sld [smem:$0x3FB1]  }
0x2d: {  	s3 =	simm.s32 $0x108;
	s8 =	sld [smem:$0x3FB2]  }
0x2e: {  	s3 =	simm.s32 @!p0 $0x1082;
	s9 =	sld [smem:$0x3FB3]  }
0x2f: {  	lr =	sadd.s32 s0, s3;
	s0 =	sld [smem:$0x3FAA]  }
0x30: {  	s3 =	sld [smem:$0x3FAD]  }
0x31: {  	[smem:$0x3FB6] =	sst s10  }
0x32: {  	s10 =	sld [smem:$0x3FB4];
	_ =	sdelay $0x3  }
0x33: {  	p0 =	seq.s32 s10, $0x1;
	s10 =	sld [smem:$0x3FB6];
	_ =	sdelay $0x3  }
0x34: {  	[smem:$0x3FB6] =	sst s10  }
0x35: {  	s10 =	sld [smem:$0x3FB5];
	_ =	sdelay $0x3  }
0x36: {  	p1 =	seq.s32 s10, $0x1;
	s10 =	sld [smem:$0x3FB6];
	_ =	sdelay $0x3  }
0x37: {  	[smem:$0x3FB6] =	sst s10  }
0x38: {  	s10 =	sld [smem:$0x3FB7]  }
0x39: {  	_ = 	snop;
	(pc) =	sbr.ind lr, $3  }
0x3a: {  	_ = 	snop  }
0x3b: {  	_ = 	snop  }
0x3c: {  	p2 =	seq.s32 s10, $0x1;
	s10 =	sld [smem:$0x3FB6]  }
0x3d: {  	_ =	shalt  }
0x3e: {  	_ =	shalt  }
0x3f: {  	_ =	shalt  }
0x40: {  	_ =	shalt  }
0x41: {  	_ =	shalt  }
0x42: {  	_ =	shalt  }
0x43: {  	_ =	shalt  }
0x44: {  	_ =	shalt  }
0x45: {  	_ =	shalt  }
0x46: {  	_ =	shalt  }
0x47: {  	_ =	shalt  }
0x48: {  	_ =	shalt  }
0x49: {  	_ =	shalt  }
0x4a: {  	_ =	shalt  }
0x4b: {  	_ =	shalt  }
0x4c: {  	_ =	shalt  }
0x4d: {  	_ =	shalt  }
0x4e: {  	_ =	shalt  }
0x4f: {  	_ =	shalt  }
0x50: {  	_ =	shalt  }
0x51: {  	_ =	shalt  }
0x52: {  	_ =	shalt  }
0x53: {  	_ =	shalt  }
0x54: {  	_ =	shalt  }
0x55: {  	_ =	shalt  }
0x56: {  	_ =	shalt  }
0x57: {  	_ =	shalt  }
0x58: {  	_ =	shalt  }
0x59: {  	_ =	shalt  }
0x5a: {  	_ =	shalt  }
0x5b: {  	_ =	shalt  }
0x5c: {  	_ =	shalt  }
0x5d: {  	_ =	shalt  }
0x5e: {  	_ =	shalt  }
0x5f: {  	_ =	shalt  }
0x60: {  	_ =	shalt  }
0x61: {  	_ =	shalt  }
0x62: {  	_ =	shalt  }
0x63: {  	_ =	shalt  }
0x64: {  	_ =	shalt  }
0x65: {  	_ =	shalt  }
0x66: {  	_ =	shalt  }
0x67: {  	_ =	shalt  }
0x68: {  	_ =	shalt  }
0x69: {  	_ =	shalt  }
0x6a: {  	_ =	shalt  }
0x6b: {  	_ =	shalt  }
0x6c: {  	_ =	shalt  }
0x6d: {  	_ =	shalt  }
0x6e: {  	_ =	shalt  }
0x6f: {  	_ =	shalt  }
0x70: {  	_ =	shalt  }
0x71: {  	_ =	shalt  }
0x72: {  	_ =	shalt  }
0x73: {  	_ =	shalt  }
0x74: {  	_ =	shalt  }
0x75: {  	_ =	shalt  }
0x76: {  	_ =	shalt  }
0x77: {  	_ =	shalt  }
0x78: {  	_ =	shalt  }
0x79: {  	_ =	shalt  }
0x7a: {  	_ =	shalt  }
0x7b: {  	_ =	shalt  }
0x7c: {  	_ =	shalt  }
0x7d: {  	_ =	shalt  }
0x7e: {  	_ =	shalt  }
0x7f: {  	_ =	shalt  }
0x80: {  	_ =	shalt  }
0x81: {  	_ =	shalt  }
0x82: {  	_ =	shalt  }
0x83: {  	_ =	shalt  }
0x84: {  	_ =	shalt  }
0x85: {  	_ =	shalt  }
0x86: {  	_ =	shalt  }
0x87: {  	_ =	shalt  }
.Lfunc_end0:
.L_simem_size_0:
called_computation.1_lowered:
.L_overlay_start_0:
0x88: {  	s2 =	sld [smem:$0x3FD9]  }
0x89: {  	s3 =	sld [smem:$0x3FFE];
	_ =	sdelay $0x1  }
0x8a: {  	s1 =	srdreg.scid  }
0x8b: {  	s0 =	sand.u32 $0x1, s1  }
0x8c: {  	s16 =	sshll.u32 s0, $0xA;
	s2 =	sadd.s32 s3, s2  }
0x8d: {  	s2 =	sadd.s32 s2, s16  }
0x8e: {  	[smem:$0x3FC2] =	sst s2  }
0x8f: {  	_ = 	snop  }
0x90: {  	(tm) =	ssettm $0x1  }
0x91: {  	s17 =	sld [smem:$0x3FFB];
	_ =	sdelay $0x3  }
0x92: {  	_ =	strace s17  }
0x93: {  	s2 =	sld [smem:$0x3FFC];
	_ =	sdelay $0x3  }
0x94: {  	_ =	strace s2  }
0x95: {  	s2 =	sld [smem:$0x3FFD];
	_ =	sdelay $0x3  }
0x96: {  	_ =	strace s2  }
0x97: {  	_ =	strace $0x8FFFFFFF  }
0x98: {  	s18 =	sld [smem:$0x3FDB];
	_ =	sdelay $0x1  }
0x99: {  	s19 =	simm.s32 $_scs_section_size  }
0x9a: {  	s4 =	simm.s32 $_size__tile_overlayer_lowered;
	s5 =	simm.s32 $_tile_overlayer_lowered  }
0x9b: {  	s22 =	simm.s32 $0x1BFF;
	s21 =	sshll.u32 s5, $0x1;
	s2 =	sadd.s32 s19, s18  }
0x9c: {  	s6 =	simm.s32 $0x0;
	s20 =	sshll.u32 s4, $0x1;
	s4 =	sadd.s32 s21, s2  }
0x9d: {  	[timem:s6], [sflag:s22] =	dma.local [hbm:s4], s20  }
0x9e: {  	_ =	swait.ge [sflag:s22], s20  }
0x9f: {  	s3 =	ssub.s32 $0x0, s20;
	[sflag:s22] =	ssyncset.done $0x0  }
0xa0: {  	[sflag:s22] =	ssyncadd.s32 s3;
	_ =	sdelay $0x1  }
0xa1: {  	s23 =	simm.s32 $0x1B8B  }
0xa2: {  	_ =	swait.ge [sflag:s23], $0x1  }
0xa3: {  	[sflag:s23] =	ssyncset.done $0x0  }
0xa4: {  	s25 =	simm.s32 $0x1B8E;
	s24 =	sld [smem:$0x3FFE];
	[sflag:s23] =	ssyncadd.s32 $0xFFFFFFFF  }
0xa5: {  	s26 =	simm.s32 $execute0_lowered;
	[smem:$0x3FD2] =	sst s25  }
0xa6: {  	s4 =	sshll.u32 s26, $0x1;
	_ =	strace $0x80000049;
	[dreg:$0x1] =	wrdreg $0xFFFFFFFF  }
0xa7: {  	s28 =	simm.s32 $_size_execute0_lowered;
	s2 =	sadd.s32 s2, s4;
	[dreg:$0x0] =	wrdreg $0x0  }
0xa8: {  	s4 =	sshll.u32 s28, $0x1;
	[dreg:$0x2] =	wrdreg s2  }
0xa9: {  	[dreg:$0x3] =	wrdreg s4  }
0xaa: {  	[dreg:$0x4] =	wrdreg $0xC0  }
0xab: {  	_ =	task [dreg:s6], $0x5FFFF  }
0xac: {  	[dreg:$0x1] =	wrdreg $0xFFFFFFFF  }
0xad: {  	[dreg:$0x0] =	wrdreg $0x60  }
0xae: {  	[dreg:$0x2] =	wrdreg s24  }
0xaf: {  	[dreg:$0x3] =	wrdreg $0xB9800  }
0xb0: {  	[dreg:$0x4] =	wrdreg $0x9  }
0xb1: {  	_ =	task.clear_ibuf [dreg:s6], $0x5FFFF;
	_ =	strace $0x90000049  }
0xb2: {  	s29 =	simm.s32 $0x9;
	_ =	strace $0x8000004B  }
0xb3: {  	_ =	swait.ge [sflag:s29], $0x1  }
0xb4: {  	[sflag:s29] =	ssyncadd.s32 $0xFFFFFFFF  }
0xb5: {  	_ =	strace $0x9000004B  }
0xb6: {  	_ =	sfence  }
0xb7: {  	s30 =	sld [smem:$0x0];
	_ =	sdelay $0x2  }
0xb8: {  	s31 =	sshll.u32 s1, $0xD;
	s1 =	sshrl.u32 s1, $0x2  }
0xb9: {  	s3 =	sand.u32 $0x4000, s31;
	s1 =	sadd.s32 s1, s30  }
0xba: {  	s0 =	sor.u32 s3, s0;
	s1 =	sshll.u32 s1, $0x11  }
0xbb: {  	s0 =	sor.u32 s1, s0  }
0xbc: {  	s0 =	sadd.s32 $0x8F2B, s0  }
0xbd: {  	[sflag:s0] =	ssyncadd.remote.s32 $0x1  }
0xbe: {  	_ =	sfence.sel $0xFFFF  }
0xbf: {  	[dreg:$0x0] =	wrdreg $0xFFFFFFFF;
	(pc) =	sbr.abs _section_cstart, $3  }
0xc0: {  	[dreg:$0x1] =	wrdreg $0xFFFFFFFF  }
0xc1: {  	_ =	task.clear_ibuf [dreg:s6], $0x2FFFF;
	_ =	strace $0x9FFFFFFF  }
0xc2: {  	(tm) =	ssettm $0x7FFFFFFF  }
0xc3: {  	_ =	shalt  }
tec
execute0_lowered:
.L_overlay_start_1:
0x0: {  	(tag) =	ssettag $0x1  }
0x1: {  	s0 =	rddreg [dreg:$0x0]  }
0x2: {  	s2 =	rddreg [dreg:$0x1]  }
0x3: {  	s3 =	simm.s32 $0x0;
	s1 =	srdreg.scid;
	s10 =	stileid.u32  }
0x4: {  	s28 =	simm.s32 $0x4080;
	s30 =	simm.s32 $0x6980;
	s31 =	simm.s32 $0x4100  }
0x5: {  	s29 =	simm.s32 $0x2;
	s11 =	simm.s32 $0x0;
	s15 =	smul.u32 $0x50000, s10  }
0x6: {  	[smem:$0x7FF] =	sst s3;
	s1 =	sand.u32 $0x1, s1;
	s16 =	smul.u32 $0x2800, s10  }
0x7: {  	s4 =	sshll.u32 s10, $0x1;
	s10 =	smul.u32 $0x4E20, s10;
	_ =	strace $0x8000004A  }
0x8: {  	s5 =	sor.u32 s1, s4;
	s4 =	sadd.s32 $0x1AA00, s0;
	s7 =	smul.u32 $0x28000, s1  }
0x9: {  	s8 =	ssub.s32 $0x2, s1;
	s1 =	smul.u32 $0x2710, s1;
	s6 =	sshll.u32 s5, $0xB  }
0xa: {  	s9 =	smul.u32 $0x2710, s5;
	s5 =	sadd.s32 $0xC00, s0;
	s13 =	sshrl.u32 s8, $0x1  }
0xb: {  	s17 =	sshrl.u32 s15, $0x2;
	s6 =	sadd.s32 s6, s0;
	s0 =	sadd.s32 s7, s0  }
0xc: {  	s7 =	ssub.s32 s8, s13;
	s1 =	sadd.s32 s1, s10;
	s10 =	simm.s32 $0x6  }
0xd: {  	s14 =	sshrl.u32 s9, $0x3;
	s6 =	sadd.s32 $0xAA00, s6;
	s0 =	sadd.s32 $0x41C00, s0  }
0xe: {  	s9 =	sadd.s32 s17, s2;
	s7 =	smax.u32 s7, $0x1;
	[dreg:$0x3] =	wrdreg s6  }
0xf: {  	s24 =	sadd.s32 $0x140, s1;
	s8 =	sadd.s32 s5, s14;
	[dreg:$0x6] =	wrdreg s7  }
0x10: {  	s25 =	sadd.s32 $0xA0, s1;
	s18 =	sadd.s32 $0x2800, s9;
	[dreg:$0x4] =	wrdreg s8  }
0x11: {  	s19 =	sadd.s32 $0x5000, s9;
	s20 =	sadd.s32 $0x7800, s9;
	[dreg:$0x7] =	wrdreg s18  }
0x12: {  	s21 =	sadd.s32 $0xA000, s9;
	s22 =	sadd.s32 $0xC800, s9;
	[dreg:$0x8] =	wrdreg s19  }
0x13: {  	s23 =	sadd.s32 $0xF000, s9;
	s7 =	sshrl.u32 s24, $0x3;
	[dreg:$0x9] =	wrdreg s20  }
0x14: {  	s26 =	sshrl.u32 s25, $0x3;
	s24 =	sadd.s32 s16, s0;
	[dreg:$0xa] =	wrdreg s21  }
0x15: {  	s25 =	simm.s32 $0x4000;
	s0 =	simm.s32 $0x9180;
	[dreg:$0xb] =	wrdreg s22  }
0x16: {  	s6 =	simm.s32 $0x5;
	s8 =	sadd.s32 $0xA, s8;
	[dreg:$0xc] =	wrdreg s23  }
0x17: {  	s18 =	sadd.s32 s7, s5;
	s19 =	sadd.s32 $0xF0, s1;
	s20 =	sadd.s32 s26, s5  }
0x18: {  	s21 =	simm.s32 $0x4180;
	s22 =	simm.s32 $0x7;
	s23 =	simm.s32 $0x1  }
0x19: {  	s26 =	simm.s32 $0x50;
	[dreg:$0x5] =	wrdreg s8;
	s8 =	sadd.s32 $0x11800, s9  }
0x1a: {  	v0 =	vimm.f32 $0.0e+00;
	s1 =	simm.s32 $0x4;
	[dreg:$0xd] =	wrdreg s8;
	s8 =	simm.s32 $0x3  }
.LBB2_1:
0x1b: {  	s7 =	rddreg [dreg:$0x3]  }
0x1c: {  	[tilespmem:s3], [sflag:$0x1] =	stream.linear.gather [hbm4b:s7+s3], $0x3E80, $0x38;
	[tilespmem:$0x1F980] =	vst v63  }
0x1d: {  	s12 =	simm.s32 $0x3C0;
	s7 =	simm.s32 $0x70  }
.LBB2_2:
0x1e: {  	p0 =	sne.s32 s12, $0x9FC0;
	[tilespmem:s7+$0x4180] =	vst v0  }
0x1f: {  	[tilespmem:s7+$0x4110] =	vst v0  }
0x20: {  	[tilespmem:s7+$0x4120] =	vst v0  }
.Ltmp0:
0x21: {  	[tilespmem:s7+$0x4130] =	vst v0;
	(pc) =	sbr.rel @p0 .LBB2_2-.Ltmp0, $4  }
0x22: {  	[tilespmem:s7+$0x4140] =	vst v0  }
0x23: {  	[tilespmem:s7+$0x4150] =	vst v0  }
0x24: {  	[tilespmem:s7+$0x4160] =	vst v0  }
0x25: {  	[tilespmem:s7+$0x4170] =	vst v0;
	s7 =	sshra.s32 s12, $0x2;
	s12 =	sadd.s32 $0x200, s12  }
0x26: {  	[tilespmem:s7+$0x4180] =	vst v0  }
0x27: {  	[tilespmem:s7+$0x4110] =	vst v0  }
0x28: {  	[tilespmem:s7+$0x4120] =	vst v0  }
0x29: {  	[tilespmem:s7+$0x4130] =	vst v0  }
0x2a: {  	[tilespmem:s7+$0x4140] =	vst v0  }
0x2b: {  	[tilespmem:s7+$0x4150] =	vst v0  }
0x2c: {  	[tilespmem:s7+$0x4160] =	vst v0  }
0x2d: {  	[tilespmem:s7+$0x4170] =	vst v0  }
0x2e: {  	[spmem:s9] =	stream.linear.scatter [tilespmem:s21], [sflag:$0x7], $0x2800, $0x38;
	[tilespmem:$0x1F980] =	vst v63  }
0x2f: {  	_ =	swait.ge [sflag:s22], $0x2800  }
0x30: {  	[sflag:s22] =	ssyncset.done $0x0  }
0x31: {  	s15 =	rddreg [dreg:$0x7];
	[sflag:s22] =	ssyncadd.s32 $0xFFFFD800  }
0x32: {  	[spmem:s15] =	stream.linear.scatter [tilespmem:s21], [sflag:$0x7], $0x2800, $0x38;
	[tilespmem:$0x1F980] =	vst v63  }
0x33: {  	_ =	swait.ge [sflag:s22], $0x2800  }
0x34: {  	[sflag:s22] =	ssyncset.done $0x0  }
0x35: {  	s16 =	rddreg [dreg:$0x8];
	[sflag:s22] =	ssyncadd.s32 $0xFFFFD800  }
0x36: {  	[spmem:s16] =	stream.linear.scatter [tilespmem:s21], [sflag:$0x7], $0x2800, $0x38;
	[tilespmem:$0x1F980] =	vst v63  }
0x37: {  	_ =	swait.ge [sflag:s22], $0x2800  }
0x38: {  	[sflag:s22] =	ssyncset.done $0x0  }
0x39: {  	s17 =	rddreg [dreg:$0x9];
	[sflag:s22] =	ssyncadd.s32 $0xFFFFD800  }
0x3a: {  	[spmem:s17] =	stream.linear.scatter [tilespmem:s21], [sflag:$0x7], $0x2800, $0x38;
	[tilespmem:$0x1F980] =	vst v63  }
0x3b: {  	_ =	swait.ge [sflag:s22], $0x2800  }
0x3c: {  	[sflag:s22] =	ssyncset.done $0x0  }
0x3d: {  	s12 =	rddreg [dreg:$0xa];
	[sflag:s22] =	ssyncadd.s32 $0xFFFFD800  }
0x3e: {  	[spmem:s12] =	stream.linear.scatter [tilespmem:s21], [sflag:$0x7], $0x2800, $0x38;
	[tilespmem:$0x1F980] =	vst v63  }
0x3f: {  	_ =	swait.ge [sflag:s22], $0x2800  }
0x40: {  	[sflag:s22] =	ssyncset.done $0x0  }
0x41: {  	s13 =	rddreg [dreg:$0xb];
	[sflag:s22] =	ssyncadd.s32 $0xFFFFD800  }
0x42: {  	[spmem:s13] =	stream.linear.scatter [tilespmem:s21], [sflag:$0x7], $0x2800, $0x38;
	[tilespmem:$0x1F980] =	vst v63  }
0x43: {  	_ =	swait.ge [sflag:s22], $0x2800  }
0x44: {  	[sflag:s22] =	ssyncset.done $0x0  }
0x45: {  	s14 =	rddreg [dreg:$0xc];
	[sflag:s22] =	ssyncadd.s32 $0xFFFFD800  }
0x46: {  	[spmem:s14] =	stream.linear.scatter [tilespmem:s21], [sflag:$0x7], $0x2800, $0x38;
	[tilespmem:$0x1F980] =	vst v63  }
0x47: {  	_ =	swait.ge [sflag:s22], $0x2800  }
0x48: {  	[sflag:s22] =	ssyncset.done $0x0  }
0x49: {  	s15 =	rddreg [dreg:$0xd];
	[sflag:s22] =	ssyncadd.s32 $0xFFFFD800  }
0x4a: {  	[spmem:s15] =	stream.linear.scatter [tilespmem:s21], [sflag:$0x7], $0x2800, $0x38;
	[tilespmem:$0x1F980] =	vst v63  }
0x4b: {  	_ =	swait.ge [sflag:s22], $0x2800  }
0x4c: {  	[sflag:s22] =	ssyncset.done $0x0  }
0x4d: {  	[sflag:s22] =	ssyncadd.s32 $0xFFFFD800  }
0x4e: {  	_ =	swait.ge [sflag:s23], $0x3E80  }
0x4f: {  	[sflag:s23] =	ssyncset.done $0x0  }
0x50: {  	[sflag:s23] =	ssyncadd.s32 $0xFFFFC180  }
0x51: {  	[bflag:$0x0] =	sbarrier.arrive $0xFFFF  }
0x52: {  	s16 =	simm.s32 $0x0;
	s12 =	rddreg [dreg:$0x4]  }
0x53: {  	[tilespmem:s25], [sflag:$0x4] =	stream.linear.gather [hbm4b:s12+s16], $0x50, $0x38;
	[tilespmem:$0x1F980] =	vst v63  }
0x54: {  	_ = 	snop  }
0x55: {  	[tilespmem:s21], [sflag:$0x1] =	stream.indirect.gather [hbm4b:s4+s26], $0x80, s16, s26, $0xb8;
	[tilespmem:$0x1F980] =	vst v63  }
0x56: {  	s17 =	rddreg [dreg:$0x5]  }
0x57: {  	[tilespmem:s28], [sflag:$0x5] =	stream.linear.gather [hbm4b:s17+s16], $0x50, $0x38;
	[tilespmem:$0x1F980] =	vst v63  }
0x58: {  	s13 =	simm.s32 $0x80  }
0x59: {  	[tilespmem:s30], [sflag:$0x2] =	stream.indirect.gather [hbm4b:s4+s26], $0x80, s13, s26, $0xb8;
	[tilespmem:$0x1F980] =	vst v63  }
0x5a: {  	_ = 	snop  }
0x5b: {  	[tilespmem:s31], [sflag:$0x6] =	stream.linear.gather [hbm4b:s20+s3], $0x50, $0x38;
	[tilespmem:$0x1F980] =	vst v63  }
0x5c: {  	s14 =	simm.s32 $0x100  }
0x5d: {  	[tilespmem:s0], [sflag:$0x3] =	stream.indirect.gather [hbm4b:s4+s26], $0x80, s14, s26, $0xb8;
	[tilespmem:$0x1F980] =	vst v63  }
0x5e: {  	_ =	swait.ge [sflag:s23], $0x2800  }
0x5f: {  	[sflag:s23] =	ssyncset.done $0x0  }
0x60: {  	[sflag:s23] =	ssyncadd.s32 $0xFFFFD800  }
0x61: {  	_ =	swait.ge [sflag:s1], $0x50  }
0x62: {  	[sflag:s1] =	ssyncset.done $0x0  }
0x63: {  	[sflag:s1] =	ssyncadd.s32 $0xFFFFFFB0  }
0x64: {  	[spmem:s2] =	stream.indirect.scatter.add.f32 [tilespmem:s21], [sflag:$0x7], $0x80, s25, s26, $0xb8;
	[tilespmem:$0x1F980] =	vst v63  }
0x65: {  	_ =	swait.ge [sflag:s22], $0x2800  }
0x66: {  	s15 =	sshrl.u32 s19, $0x3;
	[sflag:s22] =	ssyncset.done $0x0  }
0x67: {  	s7 =	sadd.s32 s5, s15;
	[sflag:s22] =	ssyncadd.s32 $0xFFFFD800  }
0x68: {  	[tilespmem:s25], [sflag:$0x4] =	stream.linear.gather [hbm4b:s7+s3], $0x50, $0x38;
	[tilespmem:$0x1F980] =	vst v63  }
0x69: {  	s16 =	simm.s32 $0x180  }
0x6a: {  	[tilespmem:s21], [sflag:$0x1] =	stream.indirect.gather [hbm4b:s4+s26], $0x80, s16, s26, $0xb8;
	[tilespmem:$0x1F980] =	vst v63  }
0x6b: {  	_ =	swait.ge [sflag:s29], $0x2800  }
0x6c: {  	[sflag:s29] =	ssyncset.done $0x0  }
0x6d: {  	[sflag:s29] =	ssyncadd.s32 $0xFFFFD800  }
0x6e: {  	_ =	swait.ge [sflag:s6], $0x50  }
0x6f: {  	[sflag:s6] =	ssyncset.done $0x0  }
0x70: {  	[sflag:s6] =	ssyncadd.s32 $0xFFFFFFB0  }
0x71: {  	[spmem:s2] =	stream.indirect.scatter.add.f32 [tilespmem:s30], [sflag:$0x7], $0x80, s28, s26, $0xb8;
	[tilespmem:$0x1F980] =	vst v63  }
0x72: {  	_ =	swait.ge [sflag:s22], $0x2800  }
0x73: {  	[sflag:s22] =	ssyncset.done $0x0  }
0x74: {  	[sflag:s22] =	ssyncadd.s32 $0xFFFFD800  }
0x75: {  	[tilespmem:s28], [sflag:$0x5] =	stream.linear.gather [hbm4b:s18+s3], $0x50, $0x38;
	[tilespmem:$0x1F980] =	vst v63  }
0x76: {  	s17 =	simm.s32 $0x200  }
0x77: {  	[tilespmem:s30], [sflag:$0x2] =	stream.indirect.gather [hbm4b:s4+s26], $0x80, s17, s26, $0xb8;
	[tilespmem:$0x1F980] =	vst v63  }
0x78: {  	_ =	swait.ge [sflag:s8], $0x2800  }
0x79: {  	[sflag:s8] =	ssyncset.done $0x0  }
0x7a: {  	[sflag:s8] =	ssyncadd.s32 $0xFFFFD800  }
0x7b: {  	_ =	swait.ge [sflag:s10], $0x50  }
0x7c: {  	[sflag:s10] =	ssyncset.done $0x0  }
0x7d: {  	[sflag:s10] =	ssyncadd.s32 $0xFFFFFFB0  }
0x7e: {  	[spmem:s2] =	stream.indirect.scatter.add.f32 [tilespmem:s0], [sflag:$0x7], $0x80, s31, s26, $0xb8;
	[tilespmem:$0x1F980] =	vst v63  }
0x7f: {  	s12 =	sadd.s32 $0x1E, s18;
	s13 =	sadd.s32 $0xF0, s19;
	_ =	swait.ge [sflag:s22], $0x2800  }
0x80: {  	s14 =	simm.s32 $0x600;
	s7 =	sadd.s32 $0x1E, s20;
	[sflag:s22] =	ssyncset.done $0x0  }
.LBB2_4:
0x81: {  	s15 =	smov.u32 s14  }
0x82: {  	s16 =	sshra.s32 s14, $0x2;
	[sflag:s22] =	ssyncadd.s32 $0xFFFFD800;
	s15 =	sadd.s32 $0x600, s14  }
0x83: {  	[tilespmem:s31], [sflag:$0x6] =	stream.linear.gather [hbm4b:s7+s3], $0x50, $0x38;
	[tilespmem:$0x1F980] =	vst v63  }
0x84: {  	p0 =	sne.s32 s14, $0xF000;
	s17 =	sadd.s32 $0x100, s16  }
0x85: {  	[tilespmem:s0], [sflag:$0x3] =	stream.indirect.gather [hbm4b:s4+s26], $0x80, s17, s26, $0xb8;
	[tilespmem:$0x1F980] =	vst v63  }
0x86: {  	_ =	swait.ge [sflag:s23], $0x2800  }
0x87: {  	[sflag:s23] =	ssyncset.done $0x0  }
0x88: {  	[sflag:s23] =	ssyncadd.s32 $0xFFFFD800  }
0x89: {  	_ =	swait.ge [sflag:s1], $0x50  }
0x8a: {  	[sflag:s1] =	ssyncset.done $0x0  }
0x8b: {  	[sflag:s1] =	ssyncadd.s32 $0xFFFFFFB0  }
0x8c: {  	[spmem:s2] =	stream.indirect.scatter.add.f32 [tilespmem:s21], [sflag:$0x7], $0x80, s25, s26, $0xb8;
	[tilespmem:$0x1F980] =	vst v63  }
0x8d: {  	_ =	swait.ge [sflag:s22], $0x2800  }
0x8e: {  	s14 =	sshrl.u32 s13, $0x3;
	[sflag:s22] =	ssyncset.done $0x0  }
0x8f: {  	s14 =	sadd.s32 s5, s14;
	[sflag:s22] =	ssyncadd.s32 $0xFFFFD800  }
0x90: {  	[tilespmem:s25], [sflag:$0x4] =	stream.linear.gather [hbm4b:s14+s3], $0x50, $0x38;
	[tilespmem:$0x1F980] =	vst v63  }
0x91: {  	s14 =	sadd.s32 $0x180, s16  }
0x92: {  	[tilespmem:s21], [sflag:$0x1] =	stream.indirect.gather [hbm4b:s4+s26], $0x80, s14, s26, $0xb8;
	[tilespmem:$0x1F980] =	vst v63  }
0x93: {  	_ =	swait.ge [sflag:s29], $0x2800  }
0x94: {  	[sflag:s29] =	ssyncset.done $0x0  }
0x95: {  	[sflag:s29] =	ssyncadd.s32 $0xFFFFD800  }
0x96: {  	_ =	swait.ge [sflag:s6], $0x50  }
0x97: {  	[sflag:s6] =	ssyncset.done $0x0  }
0x98: {  	[sflag:s6] =	ssyncadd.s32 $0xFFFFFFB0  }
0x99: {  	[spmem:s2] =	stream.indirect.scatter.add.f32 [tilespmem:s30], [sflag:$0x7], $0x80, s28, s26, $0xb8;
	[tilespmem:$0x1F980] =	vst v63  }
0x9a: {  	_ =	swait.ge [sflag:s22], $0x2800  }
0x9b: {  	[sflag:s22] =	ssyncset.done $0x0  }
0x9c: {  	[sflag:s22] =	ssyncadd.s32 $0xFFFFD800  }
0x9d: {  	[tilespmem:s28], [sflag:$0x5] =	stream.linear.gather [hbm4b:s12+s3], $0x50, $0x38;
	[tilespmem:$0x1F980] =	vst v63  }
0x9e: {  	s14 =	sadd.s32 $0x200, s16  }
0x9f: {  	[tilespmem:s30], [sflag:$0x2] =	stream.indirect.gather [hbm4b:s4+s26], $0x80, s14, s26, $0xb8;
	[tilespmem:$0x1F980] =	vst v63  }
0xa0: {  	_ =	swait.ge [sflag:s8], $0x2800  }
0xa1: {  	[sflag:s8] =	ssyncset.done $0x0  }
0xa2: {  	[sflag:s8] =	ssyncadd.s32 $0xFFFFD800  }
0xa3: {  	_ =	swait.ge [sflag:s10], $0x50  }
.Ltmp1:
0xa4: {  	[sflag:s10] =	ssyncset.done $0x0;
	(pc) =	sbr.rel @p0 .LBB2_4-.Ltmp1, $4  }
0xa5: {  	[sflag:s10] =	ssyncadd.s32 $0xFFFFFFB0  }
0xa6: {  	[spmem:s2] =	stream.indirect.scatter.add.f32 [tilespmem:s0], [sflag:$0x7], $0x80, s31, s26, $0xb8;
	[tilespmem:$0x1F980] =	vst v63  }
0xa7: {  	s13 =	sadd.s32 $0xF0, s13;
	s7 =	sadd.s32 $0x1E, s7;
	_ =	swait.ge [sflag:s22], $0x2800  }
0xa8: {  	s12 =	sadd.s32 $0x1E, s12;
	s14 =	smov.u32 s15;
	[sflag:s22] =	ssyncset.done $0x0  }
0xa9: {  	[sflag:s22] =	ssyncadd.s32 $0xFFFFD800  }
0xaa: {  	_ =	swait.ge [sflag:s23], $0x2800  }
0xab: {  	[sflag:s23] =	ssyncset.done $0x0  }
0xac: {  	[sflag:s23] =	ssyncadd.s32 $0xFFFFD800  }
0xad: {  	_ =	swait.ge [sflag:s1], $0x50  }
0xae: {  	[sflag:s1] =	ssyncset.done $0x0  }
0xaf: {  	[sflag:s1] =	ssyncadd.s32 $0xFFFFFFB0  }
0xb0: {  	[spmem:s2] =	stream.indirect.scatter.add.f32 [tilespmem:s21], [sflag:$0x7], $0x80, s25, s26, $0xb8;
	[tilespmem:$0x1F980] =	vst v63  }
0xb1: {  	_ =	swait.ge [sflag:s22], $0x2800  }
0xb2: {  	[sflag:s22] =	ssyncset.done $0x0  }
0xb3: {  	[sflag:s22] =	ssyncadd.s32 $0xFFFFD800  }
0xb4: {  	_ =	swait.ge [sflag:s29], $0x2800  }
0xb5: {  	[sflag:s29] =	ssyncset.done $0x0  }
0xb6: {  	[sflag:s29] =	ssyncadd.s32 $0xFFFFD800  }
0xb7: {  	_ =	swait.ge [sflag:s6], $0x50  }
0xb8: {  	[sflag:s6] =	ssyncset.done $0x0  }
0xb9: {  	[sflag:s6] =	ssyncadd.s32 $0xFFFFFFB0  }
0xba: {  	[spmem:s2] =	stream.indirect.scatter.add.f32 [tilespmem:s30], [sflag:$0x7], $0x80, s28, s26, $0xb8;
	[tilespmem:$0x1F980] =	vst v63  }
0xbb: {  	_ =	swait.ge [sflag:s22], $0x2800  }
0xbc: {  	s7 =	stileid.u32;
	[sflag:s22] =	ssyncset.done $0x0  }
0xbd: {  	s7 =	sshll.u32 s7, $0x6;
	[sflag:s22] =	ssyncadd.s32 $0xFFFFD800  }
0xbe: {  	s12 =	sshrl.u32 s9, $0x3;
	s7 =	sor.u32 $0x1C07, s7;
	[bflag:$0x0] =	sbarrier.arrive $0xFFFF  }
0xbf: {  	[hbm:s24], [sflag:s7] =	dma.local [spmem:s12], $0x2800  }
0xc0: {  	_ =	swait.ge [sflag:s22], $0x2800  }
0xc1: {  	s11 =	sadd.s32 $0x1, s11;
	s17 =	rddreg [dreg:$0x6]  }
0xc2: {  	p0 =	sne.s32 s11, s17  }
.Ltmp2:
0xc3: {  	_ = 	snop;
	(pc) =	sbr.rel @p0 .LBB2_1-.Ltmp2, $3  }
0xc4: {  	_ =	sdelay $0x1  }
0xc5: {  	[sflag:s22] =	ssyncset.done $0x0  }
0xc6: {  	[sflag:s22] =	ssyncadd.s32 $0xFFFFD800  }
0xc7: {  	_ =	sfence.sel $0x180000  }
0xc8: {  	[bflag:$0x0] =	sbarrier.arrive $0xFFFF  }
0xc9: {  	_ =	strace $0x9000004A  }
0xca: {  	s0 =	stileid.u32;
	[bflag:$0x2] =	sbarrier.arrive $0xFFFF  }
0xcb: {  	p0 =	sne.s32 s0, $0x0;
	s0 =	rddreg [dreg:$0x2]  }
0xcc: {  	s0 =	sadd.s32 @!p0 $0x100000, s0  }
0xcd: {  	[sflag:s0] =	ssyncadd.tile.s32 @!p0 $0x1;
	_ =	shalt  }
.Lfunc_end2:
_tile_overlayer_lowered:
.L_overlay_start_2:
0xce: {  	(tag) =	ssettag $0x2  }
0xcf: {  	s0 =	rddreg [dreg:$0x0];
	s2 =	stileid.u32  }
0xd0: {  	s1 =	rddreg [dreg:$0x1];
	p0 =	sne.s32 s2, $0x0  }
0xd1: {  	s3 =	rddreg [dreg:$0x2];
	[bflag:$0x3] =	sbarrier.arrive $0xFFFF;
	s2 =	simm.s32 @!p0 $0x1C07  }
0xd2: {  	[timem:s3], [sflag:s2] =	dma.local @!p0 [hbm:s0], s1  }
0xd3: {  	s0 =	simm.s32 @!p0 $0x7  }
0xd4: {  	_ =	swait.ge @!p0 [sflag:s0], s1  }
0xd5: {  	s1 =	ssub.s32 @!p0 $0x0, s1;
	[sflag:s0] =	ssyncset.done @!p0 $0x0  }
0xd6: {  	[sflag:s0] =	ssyncadd.s32 @!p0 s1  }
0xd7: {  	[bflag:$0x3] =	sbarrier.arrive $0xFFFF  }
0xd8: {  	_ =	shalt  }

</sc_bundles>
